<compile_context>
chip_gen: v7x
topology: tpu7x:2x2x1
jax: 0.10.2.dev20260603
libtpu: 0.0.44.dev20260713+nightly
codegen_flags: <defaults>
</compile_context>

<pallas_src>
import jax
import jax.numpy as jnp
from jax import lax
from jax.experimental import pallas as pl
from jax.experimental.pallas import tpu as pltpu
from jax.experimental.pallas import tpu_sc as plsc

B, S, V = 8, 256, 8192
WINDOW = 4
PENALTY = 0.3

NUM_CORES = 2
NUM_SUBCORES = 16
NUM_WORKERS = NUM_CORES * NUM_SUBCORES
ROWS = B * S
ROWS_PER_WORKER = ROWS // NUM_WORKERS
CHUNK = 4
NCHUNKS = ROWS_PER_WORKER // CHUNK
NBUF = 3
LOOKAHEAD = NBUF - 1


def _sc_body(logits_hbm, tok_hbm, out_hbm, tok_v, *bufs_and_sems):
    bufs = bufs_and_sems[:NBUF]
    gsems = bufs_and_sems[NBUF:2 * NBUF]
    ssems = bufs_and_sems[2 * NBUF:]
    cid = lax.axis_index("c")
    sid = lax.axis_index("s")
    wid = sid * NUM_CORES + cid
    base = wid * ROWS_PER_WORKER
    batch = base // S
    s0 = base % S

    pltpu.sync_copy(tok_hbm.at[batch], tok_v)

    lane = lax.iota(jnp.int32, 16)
    zero16 = jnp.full((16,), 0, jnp.int32)
    ones16 = jnp.full((16,), 1, jnp.int32)
    win16 = jnp.full((16,), WINDOW, jnp.int32)
    r_idx = lax.shift_right_logical(lane, jnp.full((16,), 2, jnp.int32))
    d_idx = lax.bitwise_and(lane, jnp.full((16,), 3, jnp.int32))
    pen16 = jnp.full((16,), PENALTY, jnp.float32)

    chunk16 = jnp.full((16,), CHUNK - 1, jnp.int32)
    r_use = lax.min(r_idx, chunk16)

    def apply_penalty(buf, g):
        base_i = jnp.full((16,), s0 + g * CHUNK, jnp.int32)
        i_vec = lax.add(base_i, r_use)
        valid = lax.bitwise_and(lax.ge(i_vec, win16), lax.le(r_idx, chunk16))
        istart = lax.sub(i_vec, win16)
        col = plsc.load_gather(
            tok_v, [lax.max(lax.add(istart, d_idx), zero16)])
        cnt = None
        for k in range(WINDOW):
            pk = lax.max(lax.add(istart, jnp.full((16,), k, jnp.int32)),
                         zero16)
            wk = plsc.load_gather(tok_v, [pk])
            m = jnp.where(lax.eq(wk, col), ones16, zero16)
            cnt = m if cnt is None else lax.add(cnt, m)
        vals = plsc.load_gather(buf, [r_use, col])
        newv = lax.sub(vals, lax.mul(pen16, cnt.astype(jnp.float32)))
        plsc.store_scatter(buf, [r_use, col], newv, mask=valid)

    def rows_at(g):
        return logits_hbm.at[pl.ds(base + g * CHUNK, CHUNK)]

    def out_at(g):
        return out_hbm.at[pl.ds(base + g * CHUNK, CHUNK)]

    for g in range(NBUF):
        pltpu.async_copy(rows_at(g), bufs[g], gsems[g])
    for g in range(NCHUNKS):
        b = g % NBUF
        if 1 <= g <= NCHUNKS - LOOKAHEAD - 1:
            pb = (g - 1) % NBUF
            pltpu.make_async_copy(bufs[pb], out_at(g - 1), ssems[pb]).wait()
            pltpu.async_copy(rows_at(g + LOOKAHEAD), bufs[pb], gsems[pb])
        pltpu.make_async_copy(rows_at(g), bufs[b], gsems[b]).wait()
        apply_penalty(bufs[b], g)
        pltpu.async_copy(bufs[b], out_at(g), ssems[b])
    for g in range(NCHUNKS - LOOKAHEAD - 1, NCHUNKS):
        b = g % NBUF
        pltpu.make_async_copy(bufs[b], out_at(g), ssems[b]).wait()


@jax.jit
def _coverage_sc(logits2d, tokens):
    mesh = plsc.VectorSubcoreMesh(core_axis_name="c", subcore_axis_name="s")
    return pl.kernel(
        _sc_body,
        out_type=jax.ShapeDtypeStruct((ROWS, V), jnp.float32),
        mesh=mesh,
        compiler_params=pltpu.CompilerParams(
            needs_layout_passes=False,
            disable_bounds_checks=True,
            disable_semaphore_checks=True,
        ),
        scratch_types=(
            [pltpu.VMEM((S,), jnp.int32)]
            + [pltpu.VMEM((CHUNK, V), jnp.float32)] * NBUF
            + [pltpu.SemaphoreType.DMA] * (2 * NBUF)
        ),
    )(logits2d, tokens)


def kernel(logits, generated_tokens):
    out = _coverage_sc(logits.reshape(ROWS, V), generated_tokens)
    return out.reshape(B, S, V)

# --- scband reference (transcript-rebuilt; emitter-appended) ---
"""Pipeline reference for scband-coverage-mechanism-37125697306812 (READ-ONLY COPY).

The authoritative reference and input builder live on the scoring server;
editing this copy changes nothing except your own understanding.
"""

import jax, jax.numpy as jnp
import numpy as np

B, S, V = 8, 256, 8192
MAX_REPEAT_LENGTH = 4
PENALTY_WEIGHT = 0.3


def setup_inputs(seed: int = 0) -> dict:
    key = jax.random.key(seed)
    k1, k2 = jax.random.split(key)
    logits = jax.random.normal(k1, (B, S, V), dtype=jnp.float32)
    generated_tokens = jax.random.randint(k2, (B, S), 0, V, dtype=jnp.int32)
    return {"logits": logits, "generated_tokens": generated_tokens}


def reference(logits, generated_tokens):
    # Faithful translation of CoverageMechanism.compute_coverage_penalty:
    # penalty[:, i, j] = w * count of token j in generated_tokens[:, i-L:i] for i >= L, else 0
    bsz, seq_len, vocab = logits.shape
    L = MAX_REPEAT_LENGTH
    if seq_len < L:
        return logits
    # histogram of tokens per position via one-hot (scatter-add equivalent)
    oh = jax.nn.one_hot(generated_tokens, vocab, dtype=logits.dtype)  # [B, S, V]
    # window count for position i (i >= L): tokens at positions [i-L, i)
    counts = oh[:, 0 : seq_len - L, :]
    for d in range(1, L):
        counts = counts + oh[:, d : seq_len - L + d, :]  # [B, S-L, V]
    penalty = jnp.concatenate(
        [
            jnp.zeros((bsz, L, vocab), dtype=logits.dtype),
            PENALTY_WEIGHT * counts,
        ],
        axis=1,
    )  # [B, S, V]
    return logits - penalty

if __name__ == "__main__":
    import jax
    _d = setup_inputs()
    print(jax.jit(kernel)(*tuple(_d.values())))

</pallas_src>

<mosaic_0001>
#map = affine_map<(d0, d1) -> (0, 0)>
module attributes {stable_mosaic.version = 14 : i64} {
  func.func @_sc_body(%arg0: i32, %arg1: i32, %arg2: memref<2048x8192xf32, #tpu.memory_space<hbm>>, %arg3: memref<8x256xi32, #tpu.memory_space<hbm>>, %arg4: memref<2048x8192xf32, #tpu.memory_space<hbm>>, %arg5: memref<256xi32, #tpu.memory_space<vmem>>, %arg6: memref<4x8192xf32, #tpu.memory_space<vmem>>, %arg7: memref<4x8192xf32, #tpu.memory_space<vmem>>, %arg8: memref<4x8192xf32, #tpu.memory_space<vmem>>, %arg9: memref<!tpu.dma_semaphore, #tpu.memory_space<semaphore_mem>>, %arg10: memref<!tpu.dma_semaphore, #tpu.memory_space<semaphore_mem>>, %arg11: memref<!tpu.dma_semaphore, #tpu.memory_space<semaphore_mem>>, %arg12: memref<!tpu.dma_semaphore, #tpu.memory_space<semaphore_mem>>, %arg13: memref<!tpu.dma_semaphore, #tpu.memory_space<semaphore_mem>>, %arg14: memref<!tpu.dma_semaphore, #tpu.memory_space<semaphore_mem>>) attributes {dimension_semantics = [#tpu.dimension_semantics<core_parallel>, #tpu.dimension_semantics<subcore_parallel>], iteration_bounds = array<i64: 2, 16>, scalar_prefetch = 0 : i64, scratch_operands = 10 : i64, tpu.core_type = #tpu.core_type<sc_vector_subcore>, window_params = [{transform_indices = #map}, {transform_indices = #map}, {transform_indices = #map}]} {
    %mul3A = arith.constant 2 : i32
    %mul3A_0 = arith.muli %arg1, %mul3A : i32
    %add3A = arith.addi %mul3A_0, %arg0 : i32
    %mul3A_1 = arith.constant 64 : i32
    %mul3A_2 = arith.muli %add3A, %mul3A_1 : i32
    %jit3A = arith.constant 256 : i32
    %div3A = arith.divsi %mul3A_2, %jit3A : i32
    %sign3A = arith.constant 0 : i32
    %sign3A_3 = arith.cmpi sgt, %mul3A_2, %sign3A : i32
    %sign3A_4 = arith.extui %sign3A_3 : i1 to i32
    %sign3A_5 = arith.constant 0 : i32
    %sign3A_6 = arith.cmpi slt, %mul3A_2, %sign3A_5 : i32
    %sign3A_7 = arith.extui %sign3A_6 : i1 to i32
    %sign3A_8 = arith.subi %sign3A_4, %sign3A_7 : i32
    %sign3A_9 = arith.constant 0 : i32
    %sign3A_10 = arith.cmpi sgt, %jit3A, %sign3A_9 : i32
    %sign3A_11 = arith.extui %sign3A_10 : i1 to i32
    %sign3A_12 = arith.constant 0 : i32
    %sign3A_13 = arith.cmpi slt, %jit3A, %sign3A_12 : i32
    %sign3A_14 = arith.extui %sign3A_13 : i1 to i32
    %sign3A_15 = arith.subi %sign3A_11, %sign3A_14 : i32
    %ne3A = arith.cmpi ne, %sign3A_8, %sign3A_15 : i32
    %rem3A = arith.remsi %mul3A_2, %jit3A : i32
    %ne3A_16 = arith.constant 0 : i32
    %ne3A_17 = arith.cmpi ne, %rem3A, %ne3A_16 : i32
    %and3A = arith.andi %ne3A, %ne3A_17 : i1
    %sub3A = arith.constant 1 : i32
    %sub3A_18 = arith.subi %div3A, %sub3A : i32
    %select_n3A = arith.select %and3A, %sub3A_18, %div3A : i32
    %jit3A_19 = arith.constant 256 : i32
    %eq3A = arith.constant 0 : i32
    %eq3A_20 = arith.cmpi eq, %jit3A_19, %eq3A : i32
    %jit3A_21 = arith.constant 1 : i32
    %select_n3A_22 = arith.select %eq3A_20, %jit3A_21, %jit3A_19 : i32
    %rem3A_23 = arith.remsi %mul3A_2, %select_n3A_22 : i32
    %ne3A_24 = arith.constant 0 : i32
    %ne3A_25 = arith.cmpi ne, %rem3A_23, %ne3A_24 : i32
    %lt3A = arith.constant 0 : i32
    %lt3A_26 = arith.cmpi slt, %rem3A_23, %lt3A : i32
    %lt3A_27 = arith.constant 0 : i32
    %lt3A_28 = arith.cmpi slt, %select_n3A_22, %lt3A_27 : i32
    %ne3A_29 = arith.xori %lt3A_26, %lt3A_28 : i1
    %and3A_30 = arith.andi %ne3A_29, %ne3A_25 : i1
    %add3A_31 = arith.addi %rem3A_23, %select_n3A_22 : i32
    %select_n3A_32 = arith.select %and3A_30, %add3A_31, %rem3A_23 : i32
    "tpu.region"() ({
      %run_scoped3A = tpu.sem_alloc : memref<!tpu.dma_semaphore, #tpu.memory_space<semaphore_mem>>
      %dma_start3A_1160 = arith.constant 0 : i32
      %dma_start3A_1161 = tpu.memref_slice %arg3[%select_n3A, %dma_start3A_1160] : memref<8x256xi32, #tpu.memory_space<hbm>> -> memref<1x256xi32, #tpu.memory_space<hbm>>
      %dma_start3A_1162 = tpu.memref_squeeze %dma_start3A_1161 : memref<1x256xi32, #tpu.memory_space<hbm>> -> memref<256xi32, #tpu.memory_space<hbm>>
      %dma_start3A_1163 = arith.constant 0 : i32
      %dma_start3A_1164 = tpu.memref_slice %arg3[%select_n3A, %dma_start3A_1163] : memref<8x256xi32, #tpu.memory_space<hbm>> -> memref<1x256xi32, #tpu.memory_space<hbm>>
      %dma_start3A_1165 = tpu.memref_squeeze %dma_start3A_1164 : memref<1x256xi32, #tpu.memory_space<hbm>> -> memref<256xi32, #tpu.memory_space<hbm>>
      tpu.enqueue_dma source(%dma_start3A_1165 : memref<256xi32, #tpu.memory_space<hbm>>) target(%arg5 : memref<256xi32, #tpu.memory_space<vmem>>) target_semaphore(%run_scoped3A : memref<!tpu.dma_semaphore, #tpu.memory_space<semaphore_mem>>)
      %dma_wait3A_1166 = arith.constant 0 : i32
      %dma_wait3A_1167 = tpu.memref_slice %arg3[%select_n3A, %dma_wait3A_1166] : memref<8x256xi32, #tpu.memory_space<hbm>> -> memref<1x256xi32, #tpu.memory_space<hbm>>
      %dma_wait3A_1168 = tpu.memref_squeeze %dma_wait3A_1167 : memref<1x256xi32, #tpu.memory_space<hbm>> -> memref<256xi32, #tpu.memory_space<hbm>>
      %dma_wait3A_1169 = arith.constant 0 : i32
      %dma_wait3A_1170 = tpu.memref_slice %arg3[%select_n3A, %dma_wait3A_1169] : memref<8x256xi32, #tpu.memory_space<hbm>> -> memref<1x256xi32, #tpu.memory_space<hbm>>
      %dma_wait3A_1171 = tpu.memref_squeeze %dma_wait3A_1170 : memref<1x256xi32, #tpu.memory_space<hbm>> -> memref<256xi32, #tpu.memory_space<hbm>>
      tpu.wait_dma2 semaphore(%run_scoped3A : memref<!tpu.dma_semaphore, #tpu.memory_space<semaphore_mem>>) src(%dma_wait3A_1171 : memref<256xi32, #tpu.memory_space<hbm>>) dst(%arg5 : memref<256xi32, #tpu.memory_space<vmem>>)
      tpu.yield
    }) : () -> ()
    %iota3A = tpu.iota {dimensions = array<i32: 0>} : vector<16xi32>
    %broadcast_in_dim3A = arith.constant 0 : i32
    %broadcast_in_dim3A_33 = vector.broadcast %broadcast_in_dim3A : i32 to vector<16xi32>
    %broadcast_in_dim3A_34 = arith.constant 1 : i32
    %broadcast_in_dim3A_35 = vector.broadcast %broadcast_in_dim3A_34 : i32 to vector<16xi32>
    %broadcast_in_dim3A_36 = arith.constant 4 : i32
    %broadcast_in_dim3A_37 = vector.broadcast %broadcast_in_dim3A_36 : i32 to vector<16xi32>
    %broadcast_in_dim3A_38 = arith.constant 2 : i32
    %broadcast_in_dim3A_39 = vector.broadcast %broadcast_in_dim3A_38 : i32 to vector<16xi32>
    %shift_right_logical3A = arith.shrui %iota3A, %broadcast_in_dim3A_39 : vector<16xi32>
    %broadcast_in_dim3A_40 = arith.constant 3 : i32
    %broadcast_in_dim3A_41 = vector.broadcast %broadcast_in_dim3A_40 : i32 to vector<16xi32>
    %and3A_42 = arith.andi %iota3A, %broadcast_in_dim3A_41 : vector<16xi32>
    %broadcast_in_dim3A_43 = arith.constant 3.000000e-01 : f32
    %broadcast_in_dim3A_44 = vector.broadcast %broadcast_in_dim3A_43 : f32 to vector<16xf32>
    %broadcast_in_dim3A_45 = arith.constant 3 : i32
    %broadcast_in_dim3A_46 = vector.broadcast %broadcast_in_dim3A_45 : i32 to vector<16xi32>
    %min3A = arith.minsi %shift_right_logical3A, %broadcast_in_dim3A_46 : vector<16xi32>
    %add3A_47 = arith.constant 0 : i32
    %add3A_48 = arith.addi %mul3A_2, %add3A_47 : i32
    %dma_start3A = arith.constant 0 : i32
    %dma_start3A_49 = tpu.memref_slice %arg2[%add3A_48, %dma_start3A] : memref<2048x8192xf32, #tpu.memory_space<hbm>> -> memref<4x8192xf32, #tpu.memory_space<hbm>>
    %dma_start3A_50 = arith.constant 0 : i32
    %dma_start3A_51 = tpu.memref_slice %arg2[%add3A_48, %dma_start3A_50] : memref<2048x8192xf32, #tpu.memory_space<hbm>> -> memref<4x8192xf32, #tpu.memory_space<hbm>>
    tpu.enqueue_dma source(%dma_start3A_51 : memref<4x8192xf32, #tpu.memory_space<hbm>>) target(%arg6 : memref<4x8192xf32, #tpu.memory_space<vmem>>) target_semaphore(%arg9 : memref<!tpu.dma_semaphore, #tpu.memory_space<semaphore_mem>>)
    %add3A_52 = arith.constant 4 : i32
    %add3A_53 = arith.addi %mul3A_2, %add3A_52 : i32
    %dma_start3A_54 = arith.constant 0 : i32
    %dma_start3A_55 = tpu.memref_slice %arg2[%add3A_53, %dma_start3A_54] : memref<2048x8192xf32, #tpu.memory_space<hbm>> -> memref<4x8192xf32, #tpu.memory_space<hbm>>
    %dma_start3A_56 = arith.constant 0 : i32
    %dma_start3A_57 = tpu.memref_slice %arg2[%add3A_53, %dma_start3A_56] : memref<2048x8192xf32, #tpu.memory_space<hbm>> -> memref<4x8192xf32, #tpu.memory_space<hbm>>
    tpu.enqueue_dma source(%dma_start3A_57 : memref<4x8192xf32, #tpu.memory_space<hbm>>) target(%arg7 : memref<4x8192xf32, #tpu.memory_space<vmem>>) target_semaphore(%arg10 : memref<!tpu.dma_semaphore, #tpu.memory_space<semaphore_mem>>)
    %add3A_58 = arith.constant 8 : i32
    %add3A_59 = arith.addi %mul3A_2, %add3A_58 : i32
    %dma_start3A_60 = arith.constant 0 : i32
    %dma_start3A_61 = tpu.memref_slice %arg2[%add3A_59, %dma_start3A_60] : memref<2048x8192xf32, #tpu.memory_space<hbm>> -> memref<4x8192xf32, #tpu.memory_space<hbm>>
    %dma_start3A_62 = arith.constant 0 : i32
    %dma_start3A_63 = tpu.memref_slice %arg2[%add3A_59, %dma_start3A_62] : memref<2048x8192xf32, #tpu.memory_space<hbm>> -> memref<4x8192xf32, #tpu.memory_space<hbm>>
    tpu.enqueue_dma source(%dma_start3A_63 : memref<4x8192xf32, #tpu.memory_space<hbm>>) target(%arg8 : memref<4x8192xf32, #tpu.memory_space<vmem>>) target_semaphore(%arg11 : memref<!tpu.dma_semaphore, #tpu.memory_space<semaphore_mem>>)
    %add3A_64 = arith.constant 0 : i32
    %add3A_65 = arith.addi %mul3A_2, %add3A_64 : i32
    %dma_wait3A = arith.constant 0 : i32
    %dma_wait3A_66 = tpu.memref_slice %arg2[%add3A_65, %dma_wait3A] : memref<2048x8192xf32, #tpu.memory_space<hbm>> -> memref<4x8192xf32, #tpu.memory_space<hbm>>
    %dma_wait3A_67 = arith.constant 0 : i32
    %dma_wait3A_68 = tpu.memref_slice %arg2[%add3A_65, %dma_wait3A_67] : memref<2048x8192xf32, #tpu.memory_space<hbm>> -> memref<4x8192xf32, #tpu.memory_space<hbm>>
    tpu.wait_dma2 semaphore(%arg9 : memref<!tpu.dma_semaphore, #tpu.memory_space<semaphore_mem>>) src(%dma_wait3A_68 : memref<4x8192xf32, #tpu.memory_space<hbm>>) dst(%arg6 : memref<4x8192xf32, #tpu.memory_space<vmem>>)
    %add3A_69 = arith.constant 0 : i32
    %add3A_70 = arith.addi %select_n3A_32, %add3A_69 : i32
    %broadcast_in_dim3A_71 = vector.broadcast %add3A_70 : i32 to vector<16xi32>
    %add3A_72 = arith.addi %broadcast_in_dim3A_71, %min3A : vector<16xi32>
    %ge3A = arith.cmpi sge, %add3A_72, %broadcast_in_dim3A_37 : vector<16xi32>
    %le3A = arith.cmpi sle, %shift_right_logical3A, %broadcast_in_dim3A_46 : vector<16xi32>
    %and3A_73 = arith.andi %ge3A, %le3A : vector<16xi1>
    %sub3A_74 = arith.subi %add3A_72, %broadcast_in_dim3A_37 : vector<16xi32>
    %add3A_75 = arith.addi %sub3A_74, %and3A_42 : vector<16xi32>
    %max3A = arith.maxsi %add3A_75, %broadcast_in_dim3A_33 : vector<16xi32>
    %gather3A = tpu.vector_load_idx %arg5[%max3A] : memref<256xi32, #tpu.memory_space<vmem>>[vector<16xi32>], vector<16xi32>,
    %broadcast_in_dim3A_76 = arith.constant 0 : i32
    %broadcast_in_dim3A_77 = vector.broadcast %broadcast_in_dim3A_76 : i32 to vector<16xi32>
    %add3A_78 = arith.addi %sub3A_74, %broadcast_in_dim3A_77 : vector<16xi32>
    %max3A_79 = arith.maxsi %add3A_78, %broadcast_in_dim3A_33 : vector<16xi32>
    %gather3A_80 = tpu.vector_load_idx %arg5[%max3A_79] : memref<256xi32, #tpu.memory_space<vmem>>[vector<16xi32>], vector<16xi32>,
    %eq3A_81 = arith.cmpi eq, %gather3A_80, %gather3A : vector<16xi32>
    %select_n3A_82 = arith.select %eq3A_81, %broadcast_in_dim3A_35, %broadcast_in_dim3A_33 : vector<16xi1>, vector<16xi32>
    %broadcast_in_dim3A_83 = arith.constant 1 : i32
    %broadcast_in_dim3A_84 = vector.broadcast %broadcast_in_dim3A_83 : i32 to vector<16xi32>
    %add3A_85 = arith.addi %sub3A_74, %broadcast_in_dim3A_84 : vector<16xi32>
    %max3A_86 = arith.maxsi %add3A_85, %broadcast_in_dim3A_33 : vector<16xi32>
    %gather3A_87 = tpu.vector_load_idx %arg5[%max3A_86] : memref<256xi32, #tpu.memory_space<vmem>>[vector<16xi32>], vector<16xi32>,
    %eq3A_88 = arith.cmpi eq, %gather3A_87, %gather3A : vector<16xi32>
    %select_n3A_89 = arith.select %eq3A_88, %broadcast_in_dim3A_35, %broadcast_in_dim3A_33 : vector<16xi1>, vector<16xi32>
    %add3A_90 = arith.addi %select_n3A_82, %select_n3A_89 : vector<16xi32>
    %broadcast_in_dim3A_91 = arith.constant 2 : i32
    %broadcast_in_dim3A_92 = vector.broadcast %broadcast_in_dim3A_91 : i32 to vector<16xi32>
    %add3A_93 = arith.addi %sub3A_74, %broadcast_in_dim3A_92 : vector<16xi32>
    %max3A_94 = arith.maxsi %add3A_93, %broadcast_in_dim3A_33 : vector<16xi32>
    %gather3A_95 = tpu.vector_load_idx %arg5[%max3A_94] : memref<256xi32, #tpu.memory_space<vmem>>[vector<16xi32>], vector<16xi32>,
    %eq3A_96 = arith.cmpi eq, %gather3A_95, %gather3A : vector<16xi32>
    %select_n3A_97 = arith.select %eq3A_96, %broadcast_in_dim3A_35, %broadcast_in_dim3A_33 : vector<16xi1>, vector<16xi32>
    %add3A_98 = arith.addi %add3A_90, %select_n3A_97 : vector<16xi32>
    %broadcast_in_dim3A_99 = arith.constant 3 : i32
    %broadcast_in_dim3A_100 = vector.broadcast %broadcast_in_dim3A_99 : i32 to vector<16xi32>
    %add3A_101 = arith.addi %sub3A_74, %broadcast_in_dim3A_100 : vector<16xi32>
    %max3A_102 = arith.maxsi %add3A_101, %broadcast_in_dim3A_33 : vector<16xi32>
    %gather3A_103 = tpu.vector_load_idx %arg5[%max3A_102] : memref<256xi32, #tpu.memory_space<vmem>>[vector<16xi32>], vector<16xi32>,
    %eq3A_104 = arith.cmpi eq, %gather3A_103, %gather3A : vector<16xi32>
    %select_n3A_105 = arith.select %eq3A_104, %broadcast_in_dim3A_35, %broadcast_in_dim3A_33 : vector<16xi1>, vector<16xi32>
    %add3A_106 = arith.addi %add3A_98, %select_n3A_105 : vector<16xi32>
    %gather3A_107 = tpu.vector_load_idx %arg6[%min3A, %gather3A] : memref<4x8192xf32, #tpu.memory_space<vmem>>[vector<16xi32>, vector<16xi32>], vector<16xf32>,
    %convert_element_type3A = arith.sitofp %add3A_106 : vector<16xi32> to vector<16xf32>
    %mul3A_108 = arith.mulf %broadcast_in_dim3A_44, %convert_element_type3A : vector<16xf32>
    %sub3A_109 = arith.subf %gather3A_107, %mul3A_108 : vector<16xf32>
    tpu.vector_store_idx %arg6[%min3A, %gather3A], %sub3A_109 masked %and3A_73 : memref<4x8192xf32, #tpu.memory_space<vmem>>[vector<16xi32>, vector<16xi32>], vector<16xf32>, vector<16xi1>
    %add3A_110 = arith.constant 0 : i32
    %add3A_111 = arith.addi %mul3A_2, %add3A_110 : i32
    %dma_start3A_112 = arith.constant 0 : i32
    %dma_start3A_113 = tpu.memref_slice %arg4[%add3A_111, %dma_start3A_112] : memref<2048x8192xf32, #tpu.memory_space<hbm>> -> memref<4x8192xf32, #tpu.memory_space<hbm>>
    %dma_start3A_114 = arith.constant 0 : i32
    %dma_start3A_115 = tpu.memref_slice %arg4[%add3A_111, %dma_start3A_114] : memref<2048x8192xf32, #tpu.memory_space<hbm>> -> memref<4x8192xf32, #tpu.memory_space<hbm>>
    tpu.enqueue_dma source(%arg6 : memref<4x8192xf32, #tpu.memory_space<vmem>>) target(%dma_start3A_115 : memref<4x8192xf32, #tpu.memory_space<hbm>>) target_semaphore(%arg12 : memref<!tpu.dma_semaphore, #tpu.memory_space<semaphore_mem>>)
    %add3A_116 = arith.constant 0 : i32
    %add3A_117 = arith.addi %mul3A_2, %add3A_116 : i32
    %dma_wait3A_118 = arith.constant 0 : i32
    %dma_wait3A_119 = tpu.memref_slice %arg4[%add3A_117, %dma_wait3A_118] : memref<2048x8192xf32, #tpu.memory_space<hbm>> -> memref<4x8192xf32, #tpu.memory_space<hbm>>
    %dma_wait3A_120 = arith.constant 0 : i32
    %dma_wait3A_121 = tpu.memref_slice %arg4[%add3A_117, %dma_wait3A_120] : memref<2048x8192xf32, #tpu.memory_space<hbm>> -> memref<4x8192xf32, #tpu.memory_space<hbm>>
    tpu.wait_dma2 semaphore(%arg12 : memref<!tpu.dma_semaphore, #tpu.memory_space<semaphore_mem>>) src(%arg6 : memref<4x8192xf32, #tpu.memory_space<vmem>>) dst(%dma_wait3A_121 : memref<4x8192xf32, #tpu.memory_space<hbm>>)
    %add3A_122 = arith.constant 12 : i32
    %add3A_123 = arith.addi %mul3A_2, %add3A_122 : i32
    %dma_start3A_124 = arith.constant 0 : i32
    %dma_start3A_125 = tpu.memref_slice %arg2[%add3A_123, %dma_start3A_124] : memref<2048x8192xf32, #tpu.memory_space<hbm>> -> memref<4x8192xf32, #tpu.memory_space<hbm>>
    %dma_start3A_126 = arith.constant 0 : i32
    %dma_start3A_127 = tpu.memref_slice %arg2[%add3A_123, %dma_start3A_126] : memref<2048x8192xf32, #tpu.memory_space<hbm>> -> memref<4x8192xf32, #tpu.memory_space<hbm>>
    tpu.enqueue_dma source(%dma_start3A_127 : memref<4x8192xf32, #tpu.memory_space<hbm>>) target(%arg6 : memref<4x8192xf32, #tpu.memory_space<vmem>>) target_semaphore(%arg9 : memref<!tpu.dma_semaphore, #tpu.memory_space<semaphore_mem>>)
    %add3A_128 = arith.constant 4 : i32
    %add3A_129 = arith.addi %mul3A_2, %add3A_128 : i32
    %dma_wait3A_130 = arith.constant 0 : i32
    %dma_wait3A_131 = tpu.memref_slice %arg2[%add3A_129, %dma_wait3A_130] : memref<2048x8192xf32, #tpu.memory_space<hbm>> -> memref<4x8192xf32, #tpu.memory_space<hbm>>
    %dma_wait3A_132 = arith.constant 0 : i32
    %dma_wait3A_133 = tpu.memref_slice %arg2[%add3A_129, %dma_wait3A_132] : memref<2048x8192xf32, #tpu.memory_space<hbm>> -> memref<4x8192xf32, #tpu.memory_space<hbm>>
    tpu.wait_dma2 semaphore(%arg10 : memref<!tpu.dma_semaphore, #tpu.memory_space<semaphore_mem>>) src(%dma_wait3A_133 : memref<4x8192xf32, #tpu.memory_space<hbm>>) dst(%arg7 : memref<4x8192xf32, #tpu.memory_space<vmem>>)
    %add3A_134 = arith.constant 4 : i32
    %add3A_135 = arith.addi %select_n3A_32, %add3A_134 : i32
    %broadcast_in_dim3A_136 = vector.broadcast %add3A_135 : i32 to vector<16xi32>
    %add3A_137 = arith.addi %broadcast_in_dim3A_136, %min3A : vector<16xi32>
    %ge3A_138 = arith.cmpi sge, %add3A_137, %broadcast_in_dim3A_37 : vector<16xi32>
    %le3A_139 = arith.cmpi sle, %shift_right_logical3A, %broadcast_in_dim3A_46 : vector<16xi32>
    %and3A_140 = arith.andi %ge3A_138, %le3A_139 : vector<16xi1>
    %sub3A_141 = arith.subi %add3A_137, %broadcast_in_dim3A_37 : vector<16xi32>
    %add3A_142 = arith.addi %sub3A_141, %and3A_42 : vector<16xi32>
    %max3A_143 = arith.maxsi %add3A_142, %broadcast_in_dim3A_33 : vector<16xi32>
    %gather3A_144 = tpu.vector_load_idx %arg5[%max3A_143] : memref<256xi32, #tpu.memory_space<vmem>>[vector<16xi32>], vector<16xi32>,
    %broadcast_in_dim3A_145 = arith.constant 0 : i32
    %broadcast_in_dim3A_146 = vector.broadcast %broadcast_in_dim3A_145 : i32 to vector<16xi32>
    %add3A_147 = arith.addi %sub3A_141, %broadcast_in_dim3A_146 : vector<16xi32>
    %max3A_148 = arith.maxsi %add3A_147, %broadcast_in_dim3A_33 : vector<16xi32>
    %gather3A_149 = tpu.vector_load_idx %arg5[%max3A_148] : memref<256xi32, #tpu.memory_space<vmem>>[vector<16xi32>], vector<16xi32>,
    %eq3A_150 = arith.cmpi eq, %gather3A_149, %gather3A_144 : vector<16xi32>
    %select_n3A_151 = arith.select %eq3A_150, %broadcast_in_dim3A_35, %broadcast_in_dim3A_33 : vector<16xi1>, vector<16xi32>
    %broadcast_in_dim3A_152 = arith.constant 1 : i32
    %broadcast_in_dim3A_153 = vector.broadcast %broadcast_in_dim3A_152 : i32 to vector<16xi32>
    %add3A_154 = arith.addi %sub3A_141, %broadcast_in_dim3A_153 : vector<16xi32>
    %max3A_155 = arith.maxsi %add3A_154, %broadcast_in_dim3A_33 : vector<16xi32>
    %gather3A_156 = tpu.vector_load_idx %arg5[%max3A_155] : memref<256xi32, #tpu.memory_space<vmem>>[vector<16xi32>], vector<16xi32>,
    %eq3A_157 = arith.cmpi eq, %gather3A_156, %gather3A_144 : vector<16xi32>
    %select_n3A_158 = arith.select %eq3A_157, %broadcast_in_dim3A_35, %broadcast_in_dim3A_33 : vector<16xi1>, vector<16xi32>
    %add3A_159 = arith.addi %select_n3A_151, %select_n3A_158 : vector<16xi32>
    %broadcast_in_dim3A_160 = arith.constant 2 : i32
    %broadcast_in_dim3A_161 = vector.broadcast %broadcast_in_dim3A_160 : i32 to vector<16xi32>
    %add3A_162 = arith.addi %sub3A_141, %broadcast_in_dim3A_161 : vector<16xi32>
    %max3A_163 = arith.maxsi %add3A_162, %broadcast_in_dim3A_33 : vector<16xi32>
    %gather3A_164 = tpu.vector_load_idx %arg5[%max3A_163] : memref<256xi32, #tpu.memory_space<vmem>>[vector<16xi32>], vector<16xi32>,
    %eq3A_165 = arith.cmpi eq, %gather3A_164, %gather3A_144 : vector<16xi32>
    %select_n3A_166 = arith.select %eq3A_165, %broadcast_in_dim3A_35, %broadcast_in_dim3A_33 : vector<16xi1>, vector<16xi32>
    %add3A_167 = arith.addi %add3A_159, %select_n3A_166 : vector<16xi32>
    %broadcast_in_dim3A_168 = arith.constant 3 : i32
    %broadcast_in_dim3A_169 = vector.broadcast %broadcast_in_dim3A_168 : i32 to vector<16xi32>
    %add3A_170 = arith.addi %sub3A_141, %broadcast_in_dim3A_169 : vector<16xi32>
    %max3A_171 = arith.maxsi %add3A_170, %broadcast_in_dim3A_33 : vector<16xi32>
    %gather3A_172 = tpu.vector_load_idx %arg5[%max3A_171] : memref<256xi32, #tpu.memory_space<vmem>>[vector<16xi32>], vector<16xi32>,
    %eq3A_173 = arith.cmpi eq, %gather3A_172, %gather3A_144 : vector<16xi32>
    %select_n3A_174 = arith.select %eq3A_173, %broadcast_in_dim3A_35, %broadcast_in_dim3A_33 : vector<16xi1>, vector<16xi32>
    %add3A_175 = arith.addi %add3A_167, %select_n3A_174 : vector<16xi32>
    %gather3A_176 = tpu.vector_load_idx %arg7[%min3A, %gather3A_144] : memref<4x8192xf32, #tpu.memory_space<vmem>>[vector<16xi32>, vector<16xi32>], vector<16xf32>,
    %convert_element_type3A_177 = arith.sitofp %add3A_175 : vector<16xi32> to vector<16xf32>
    %mul3A_178 = arith.mulf %broadcast_in_dim3A_44, %convert_element_type3A_177 : vector<16xf32>
    %sub3A_179 = arith.subf %gather3A_176, %mul3A_178 : vector<16xf32>
    tpu.vector_store_idx %arg7[%min3A, %gather3A_144], %sub3A_179 masked %and3A_140 : memref<4x8192xf32, #tpu.memory_space<vmem>>[vector<16xi32>, vector<16xi32>], vector<16xf32>, vector<16xi1>
    %add3A_180 = arith.constant 4 : i32
    %add3A_181 = arith.addi %mul3A_2, %add3A_180 : i32
    %dma_start3A_182 = arith.constant 0 : i32
    %dma_start3A_183 = tpu.memref_slice %arg4[%add3A_181, %dma_start3A_182] : memref<2048x8192xf32, #tpu.memory_space<hbm>> -> memref<4x8192xf32, #tpu.memory_space<hbm>>
    %dma_start3A_184 = arith.constant 0 : i32
    %dma_start3A_185 = tpu.memref_slice %arg4[%add3A_181, %dma_start3A_184] : memref<2048x8192xf32, #tpu.memory_space<hbm>> -> memref<4x8192xf32, #tpu.memory_space<hbm>>
    tpu.enqueue_dma source(%arg7 : memref<4x8192xf32, #tpu.memory_space<vmem>>) target(%dma_start3A_185 : memref<4x8192xf32, #tpu.memory_space<hbm>>) target_semaphore(%arg13 : memref<!tpu.dma_semaphore, #tpu.memory_space<semaphore_mem>>)
    %add3A_186 = arith.constant 4 : i32
    %add3A_187 = arith.addi %mul3A_2, %add3A_186 : i32
    %dma_wait3A_188 = arith.constant 0 : i32
    %dma_wait3A_189 = tpu.memref_slice %arg4[%add3A_187, %dma_wait3A_188] : memref<2048x8192xf32, #tpu.memory_space<hbm>> -> memref<4x8192xf32, #tpu.memory_space<hbm>>
    %dma_wait3A_190 = arith.constant 0 : i32
    %dma_wait3A_191 = tpu.memref_slice %arg4[%add3A_187, %dma_wait3A_190] : memref<2048x8192xf32, #tpu.memory_space<hbm>> -> memref<4x8192xf32, #tpu.memory_space<hbm>>
    tpu.wait_dma2 semaphore(%arg13 : memref<!tpu.dma_semaphore, #tpu.memory_space<semaphore_mem>>) src(%arg7 : memref<4x8192xf32, #tpu.memory_space<vmem>>) dst(%dma_wait3A_191 : memref<4x8192xf32, #tpu.memory_space<hbm>>)
    %add3A_192 = arith.constant 16 : i32
    %add3A_193 = arith.addi %mul3A_2, %add3A_192 : i32
    %dma_start3A_194 = arith.constant 0 : i32
    %dma_start3A_195 = tpu.memref_slice %arg2[%add3A_193, %dma_start3A_194] : memref<2048x8192xf32, #tpu.memory_space<hbm>> -> memref<4x8192xf32, #tpu.memory_space<hbm>>
    %dma_start3A_196 = arith.constant 0 : i32
    %dma_start3A_197 = tpu.memref_slice %arg2[%add3A_193, %dma_start3A_196] : memref<2048x8192xf32, #tpu.memory_space<hbm>> -> memref<4x8192xf32, #tpu.memory_space<hbm>>
    tpu.enqueue_dma source(%dma_start3A_197 : memref<4x8192xf32, #tpu.memory_space<hbm>>) target(%arg7 : memref<4x8192xf32, #tpu.memory_space<vmem>>) target_semaphore(%arg10 : memref<!tpu.dma_semaphore, #tpu.memory_space<semaphore_mem>>)
    %add3A_198 = arith.constant 8 : i32
    %add3A_199 = arith.addi %mul3A_2, %add3A_198 : i32
    %dma_wait3A_200 = arith.constant 0 : i32
    %dma_wait3A_201 = tpu.memref_slice %arg2[%add3A_199, %dma_wait3A_200] : memref<2048x8192xf32, #tpu.memory_space<hbm>> -> memref<4x8192xf32, #tpu.memory_space<hbm>>
    %dma_wait3A_202 = arith.constant 0 : i32
    %dma_wait3A_203 = tpu.memref_slice %arg2[%add3A_199, %dma_wait3A_202] : memref<2048x8192xf32, #tpu.memory_space<hbm>> -> memref<4x8192xf32, #tpu.memory_space<hbm>>
    tpu.wait_dma2 semaphore(%arg11 : memref<!tpu.dma_semaphore, #tpu.memory_space<semaphore_mem>>) src(%dma_wait3A_203 : memref<4x8192xf32, #tpu.memory_space<hbm>>) dst(%arg8 : memref<4x8192xf32, #tpu.memory_space<vmem>>)
    %add3A_204 = arith.constant 8 : i32
    %add3A_205 = arith.addi %select_n3A_32, %add3A_204 : i32
    %broadcast_in_dim3A_206 = vector.broadcast %add3A_205 : i32 to vector<16xi32>
    %add3A_207 = arith.addi %broadcast_in_dim3A_206, %min3A : vector<16xi32>
    %ge3A_208 = arith.cmpi sge, %add3A_207, %broadcast_in_dim3A_37 : vector<16xi32>
    %le3A_209 = arith.cmpi sle, %shift_right_logical3A, %broadcast_in_dim3A_46 : vector<16xi32>
    %and3A_210 = arith.andi %ge3A_208, %le3A_209 : vector<16xi1>
    %sub3A_211 = arith.subi %add3A_207, %broadcast_in_dim3A_37 : vector<16xi32>
    %add3A_212 = arith.addi %sub3A_211, %and3A_42 : vector<16xi32>
    %max3A_213 = arith.maxsi %add3A_212, %broadcast_in_dim3A_33 : vector<16xi32>
    %gather3A_214 = tpu.vector_load_idx %arg5[%max3A_213] : memref<256xi32, #tpu.memory_space<vmem>>[vector<16xi32>], vector<16xi32>,
    %broadcast_in_dim3A_215 = arith.constant 0 : i32
    %broadcast_in_dim3A_216 = vector.broadcast %broadcast_in_dim3A_215 : i32 to vector<16xi32>
    %add3A_217 = arith.addi %sub3A_211, %broadcast_in_dim3A_216 : vector<16xi32>
    %max3A_218 = arith.maxsi %add3A_217, %broadcast_in_dim3A_33 : vector<16xi32>
    %gather3A_219 = tpu.vector_load_idx %arg5[%max3A_218] : memref<256xi32, #tpu.memory_space<vmem>>[vector<16xi32>], vector<16xi32>,
    %eq3A_220 = arith.cmpi eq, %gather3A_219, %gather3A_214 : vector<16xi32>
    %select_n3A_221 = arith.select %eq3A_220, %broadcast_in_dim3A_35, %broadcast_in_dim3A_33 : vector<16xi1>, vector<16xi32>
    %broadcast_in_dim3A_222 = arith.constant 1 : i32
    %broadcast_in_dim3A_223 = vector.broadcast %broadcast_in_dim3A_222 : i32 to vector<16xi32>
    %add3A_224 = arith.addi %sub3A_211, %broadcast_in_dim3A_223 : vector<16xi32>
    %max3A_225 = arith.maxsi %add3A_224, %broadcast_in_dim3A_33 : vector<16xi32>
    %gather3A_226 = tpu.vector_load_idx %arg5[%max3A_225] : memref<256xi32, #tpu.memory_space<vmem>>[vector<16xi32>], vector<16xi32>,
    %eq3A_227 = arith.cmpi eq, %gather3A_226, %gather3A_214 : vector<16xi32>
    %select_n3A_228 = arith.select %eq3A_227, %broadcast_in_dim3A_35, %broadcast_in_dim3A_33 : vector<16xi1>, vector<16xi32>
    %add3A_229 = arith.addi %select_n3A_221, %select_n3A_228 : vector<16xi32>
    %broadcast_in_dim3A_230 = arith.constant 2 : i32
    %broadcast_in_dim3A_231 = vector.broadcast %broadcast_in_dim3A_230 : i32 to vector<16xi32>
    %add3A_232 = arith.addi %sub3A_211, %broadcast_in_dim3A_231 : vector<16xi32>
    %max3A_233 = arith.maxsi %add3A_232, %broadcast_in_dim3A_33 : vector<16xi32>
    %gather3A_234 = tpu.vector_load_idx %arg5[%max3A_233] : memref<256xi32, #tpu.memory_space<vmem>>[vector<16xi32>], vector<16xi32>,
    %eq3A_235 = arith.cmpi eq, %gather3A_234, %gather3A_214 : vector<16xi32>
    %select_n3A_236 = arith.select %eq3A_235, %broadcast_in_dim3A_35, %broadcast_in_dim3A_33 : vector<16xi1>, vector<16xi32>
    %add3A_237 = arith.addi %add3A_229, %select_n3A_236 : vector<16xi32>
    %broadcast_in_dim3A_238 = arith.constant 3 : i32
    %broadcast_in_dim3A_239 = vector.broadcast %broadcast_in_dim3A_238 : i32 to vector<16xi32>
    %add3A_240 = arith.addi %sub3A_211, %broadcast_in_dim3A_239 : vector<16xi32>
    %max3A_241 = arith.maxsi %add3A_240, %broadcast_in_dim3A_33 : vector<16xi32>
    %gather3A_242 = tpu.vector_load_idx %arg5[%max3A_241] : memref<256xi32, #tpu.memory_space<vmem>>[vector<16xi32>], vector<16xi32>,
    %eq3A_243 = arith.cmpi eq, %gather3A_242, %gather3A_214 : vector<16xi32>
    %select_n3A_244 = arith.select %eq3A_243, %broadcast_in_dim3A_35, %broadcast_in_dim3A_33 : vector<16xi1>, vector<16xi32>
    %add3A_245 = arith.addi %add3A_237, %select_n3A_244 : vector<16xi32>
    %gather3A_246 = tpu.vector_load_idx %arg8[%min3A, %gather3A_214] : memref<4x8192xf32, #tpu.memory_space<vmem>>[vector<16xi32>, vector<16xi32>], vector<16xf32>,
    %convert_element_type3A_247 = arith.sitofp %add3A_245 : vector<16xi32> to vector<16xf32>
    %mul3A_248 = arith.mulf %broadcast_in_dim3A_44, %convert_element_type3A_247 : vector<16xf32>
    %sub3A_249 = arith.subf %gather3A_246, %mul3A_248 : vector<16xf32>
    tpu.vector_store_idx %arg8[%min3A, %gather3A_214], %sub3A_249 masked %and3A_210 : memref<4x8192xf32, #tpu.memory_space<vmem>>[vector<16xi32>, vector<16xi32>], vector<16xf32>, vector<16xi1>
    %add3A_250 = arith.constant 8 : i32
    %add3A_251 = arith.addi %mul3A_2, %add3A_250 : i32
    %dma_start3A_252 = arith.constant 0 : i32
    %dma_start3A_253 = tpu.memref_slice %arg4[%add3A_251, %dma_start3A_252] : memref<2048x8192xf32, #tpu.memory_space<hbm>> -> memref<4x8192xf32, #tpu.memory_space<hbm>>
    %dma_start3A_254 = arith.constant 0 : i32
    %dma_start3A_255 = tpu.memref_slice %arg4[%add3A_251, %dma_start3A_254] : memref<2048x8192xf32, #tpu.memory_space<hbm>> -> memref<4x8192xf32, #tpu.memory_space<hbm>>
    tpu.enqueue_dma source(%arg8 : memref<4x8192xf32, #tpu.memory_space<vmem>>) target(%dma_start3A_255 : memref<4x8192xf32, #tpu.memory_space<hbm>>) target_semaphore(%arg14 : memref<!tpu.dma_semaphore, #tpu.memory_space<semaphore_mem>>)
    %add3A_256 = arith.constant 8 : i32
    %add3A_257 = arith.addi %mul3A_2, %add3A_256 : i32
    %dma_wait3A_258 = arith.constant 0 : i32
    %dma_wait3A_259 = tpu.memref_slice %arg4[%add3A_257, %dma_wait3A_258] : memref<2048x8192xf32, #tpu.memory_space<hbm>> -> memref<4x8192xf32, #tpu.memory_space<hbm>>
    %dma_wait3A_260 = arith.constant 0 : i32
    %dma_wait3A_261 = tpu.memref_slice %arg4[%add3A_257, %dma_wait3A_260] : memref<2048x8192xf32, #tpu.memory_space<hbm>> -> memref<4x8192xf32, #tpu.memory_space<hbm>>
    tpu.wait_dma2 semaphore(%arg14 : memref<!tpu.dma_semaphore, #tpu.memory_space<semaphore_mem>>) src(%arg8 : memref<4x8192xf32, #tpu.memory_space<vmem>>) dst(%dma_wait3A_261 : memref<4x8192xf32, #tpu.memory_space<hbm>>)
    %add3A_262 = arith.constant 20 : i32
    %add3A_263 = arith.addi %mul3A_2, %add3A_262 : i32
    %dma_start3A_264 = arith.constant 0 : i32
    %dma_start3A_265 = tpu.memref_slice %arg2[%add3A_263, %dma_start3A_264] : memref<2048x8192xf32, #tpu.memory_space<hbm>> -> memref<4x8192xf32, #tpu.memory_space<hbm>>
    %dma_start3A_266 = arith.constant 0 : i32
    %dma_start3A_267 = tpu.memref_slice %arg2[%add3A_263, %dma_start3A_266] : memref<2048x8192xf32, #tpu.memory_space<hbm>> -> memref<4x8192xf32, #tpu.memory_space<hbm>>
    tpu.enqueue_dma source(%dma_start3A_267 : memref<4x8192xf32, #tpu.memory_space<hbm>>) target(%arg8 : memref<4x8192xf32, #tpu.memory_space<vmem>>) target_semaphore(%arg11 : memref<!tpu.dma_semaphore, #tpu.memory_space<semaphore_mem>>)
    %add3A_268 = arith.constant 12 : i32
    %add3A_269 = arith.addi %mul3A_2, %add3A_268 : i32
    %dma_wait3A_270 = arith.constant 0 : i32
    %dma_wait3A_271 = tpu.memref_slice %arg2[%add3A_269, %dma_wait3A_270] : memref<2048x8192xf32, #tpu.memory_space<hbm>> -> memref<4x8192xf32, #tpu.memory_space<hbm>>
    %dma_wait3A_272 = arith.constant 0 : i32
    %dma_wait3A_273 = tpu.memref_slice %arg2[%add3A_269, %dma_wait3A_272] : memref<2048x8192xf32, #tpu.memory_space<hbm>> -> memref<4x8192xf32, #tpu.memory_space<hbm>>
    tpu.wait_dma2 semaphore(%arg9 : memref<!tpu.dma_semaphore, #tpu.memory_space<semaphore_mem>>) src(%dma_wait3A_273 : memref<4x8192xf32, #tpu.memory_space<hbm>>) dst(%arg6 : memref<4x8192xf32, #tpu.memory_space<vmem>>)
    %add3A_274 = arith.constant 12 : i32
    %add3A_275 = arith.addi %select_n3A_32, %add3A_274 : i32
    %broadcast_in_dim3A_276 = vector.broadcast %add3A_275 : i32 to vector<16xi32>
    %add3A_277 = arith.addi %broadcast_in_dim3A_276, %min3A : vector<16xi32>
    %ge3A_278 = arith.cmpi sge, %add3A_277, %broadcast_in_dim3A_37 : vector<16xi32>
    %le3A_279 = arith.cmpi sle, %shift_right_logical3A, %broadcast_in_dim3A_46 : vector<16xi32>
    %and3A_280 = arith.andi %ge3A_278, %le3A_279 : vector<16xi1>
    %sub3A_281 = arith.subi %add3A_277, %broadcast_in_dim3A_37 : vector<16xi32>
    %add3A_282 = arith.addi %sub3A_281, %and3A_42 : vector<16xi32>
    %max3A_283 = arith.maxsi %add3A_282, %broadcast_in_dim3A_33 : vector<16xi32>
    %gather3A_284 = tpu.vector_load_idx %arg5[%max3A_283] : memref<256xi32, #tpu.memory_space<vmem>>[vector<16xi32>], vector<16xi32>,
    %broadcast_in_dim3A_285 = arith.constant 0 : i32
    %broadcast_in_dim3A_286 = vector.broadcast %broadcast_in_dim3A_285 : i32 to vector<16xi32>
    %add3A_287 = arith.addi %sub3A_281, %broadcast_in_dim3A_286 : vector<16xi32>
    %max3A_288 = arith.maxsi %add3A_287, %broadcast_in_dim3A_33 : vector<16xi32>
    %gather3A_289 = tpu.vector_load_idx %arg5[%max3A_288] : memref<256xi32, #tpu.memory_space<vmem>>[vector<16xi32>], vector<16xi32>,
    %eq3A_290 = arith.cmpi eq, %gather3A_289, %gather3A_284 : vector<16xi32>
    %select_n3A_291 = arith.select %eq3A_290, %broadcast_in_dim3A_35, %broadcast_in_dim3A_33 : vector<16xi1>, vector<16xi32>
    %broadcast_in_dim3A_292 = arith.constant 1 : i32
    %broadcast_in_dim3A_293 = vector.broadcast %broadcast_in_dim3A_292 : i32 to vector<16xi32>
    %add3A_294 = arith.addi %sub3A_281, %broadcast_in_dim3A_293 : vector<16xi32>
    %max3A_295 = arith.maxsi %add3A_294, %broadcast_in_dim3A_33 : vector<16xi32>
    %gather3A_296 = tpu.vector_load_idx %arg5[%max3A_295] : memref<256xi32, #tpu.memory_space<vmem>>[vector<16xi32>], vector<16xi32>,
    %eq3A_297 = arith.cmpi eq, %gather3A_296, %gather3A_284 : vector<16xi32>
    %select_n3A_298 = arith.select %eq3A_297, %broadcast_in_dim3A_35, %broadcast_in_dim3A_33 : vector<16xi1>, vector<16xi32>
    %add3A_299 = arith.addi %select_n3A_291, %select_n3A_298 : vector<16xi32>
    %broadcast_in_dim3A_300 = arith.constant 2 : i32
    %broadcast_in_dim3A_301 = vector.broadcast %broadcast_in_dim3A_300 : i32 to vector<16xi32>
    %add3A_302 = arith.addi %sub3A_281, %broadcast_in_dim3A_301 : vector<16xi32>
    %max3A_303 = arith.maxsi %add3A_302, %broadcast_in_dim3A_33 : vector<16xi32>
    %gather3A_304 = tpu.vector_load_idx %arg5[%max3A_303] : memref<256xi32, #tpu.memory_space<vmem>>[vector<16xi32>], vector<16xi32>,
    %eq3A_305 = arith.cmpi eq, %gather3A_304, %gather3A_284 : vector<16xi32>
    %select_n3A_306 = arith.select %eq3A_305, %broadcast_in_dim3A_35, %broadcast_in_dim3A_33 : vector<16xi1>, vector<16xi32>
    %add3A_307 = arith.addi %add3A_299, %select_n3A_306 : vector<16xi32>
    %broadcast_in_dim3A_308 = arith.constant 3 : i32
    %broadcast_in_dim3A_309 = vector.broadcast %broadcast_in_dim3A_308 : i32 to vector<16xi32>
    %add3A_310 = arith.addi %sub3A_281, %broadcast_in_dim3A_309 : vector<16xi32>
    %max3A_311 = arith.maxsi %add3A_310, %broadcast_in_dim3A_33 : vector<16xi32>
    %gather3A_312 = tpu.vector_load_idx %arg5[%max3A_311] : memref<256xi32, #tpu.memory_space<vmem>>[vector<16xi32>], vector<16xi32>,
    %eq3A_313 = arith.cmpi eq, %gather3A_312, %gather3A_284 : vector<16xi32>
    %select_n3A_314 = arith.select %eq3A_313, %broadcast_in_dim3A_35, %broadcast_in_dim3A_33 : vector<16xi1>, vector<16xi32>
    %add3A_315 = arith.addi %add3A_307, %select_n3A_314 : vector<16xi32>
    %gather3A_316 = tpu.vector_load_idx %arg6[%min3A, %gather3A_284] : memref<4x8192xf32, #tpu.memory_space<vmem>>[vector<16xi32>, vector<16xi32>], vector<16xf32>,
    %convert_element_type3A_317 = arith.sitofp %add3A_315 : vector<16xi32> to vector<16xf32>
    %mul3A_318 = arith.mulf %broadcast_in_dim3A_44, %convert_element_type3A_317 : vector<16xf32>
    %sub3A_319 = arith.subf %gather3A_316, %mul3A_318 : vector<16xf32>
    tpu.vector_store_idx %arg6[%min3A, %gather3A_284], %sub3A_319 masked %and3A_280 : memref<4x8192xf32, #tpu.memory_space<vmem>>[vector<16xi32>, vector<16xi32>], vector<16xf32>, vector<16xi1>
    %add3A_320 = arith.constant 12 : i32
    %add3A_321 = arith.addi %mul3A_2, %add3A_320 : i32
    %dma_start3A_322 = arith.constant 0 : i32
    %dma_start3A_323 = tpu.memref_slice %arg4[%add3A_321, %dma_start3A_322] : memref<2048x8192xf32, #tpu.memory_space<hbm>> -> memref<4x8192xf32, #tpu.memory_space<hbm>>
    %dma_start3A_324 = arith.constant 0 : i32
    %dma_start3A_325 = tpu.memref_slice %arg4[%add3A_321, %dma_start3A_324] : memref<2048x8192xf32, #tpu.memory_space<hbm>> -> memref<4x8192xf32, #tpu.memory_space<hbm>>
    tpu.enqueue_dma source(%arg6 : memref<4x8192xf32, #tpu.memory_space<vmem>>) target(%dma_start3A_325 : memref<4x8192xf32, #tpu.memory_space<hbm>>) target_semaphore(%arg12 : memref<!tpu.dma_semaphore, #tpu.memory_space<semaphore_mem>>)
    %add3A_326 = arith.constant 12 : i32
    %add3A_327 = arith.addi %mul3A_2, %add3A_326 : i32
    %dma_wait3A_328 = arith.constant 0 : i32
    %dma_wait3A_329 = tpu.memref_slice %arg4[%add3A_327, %dma_wait3A_328] : memref<2048x8192xf32, #tpu.memory_space<hbm>> -> memref<4x8192xf32, #tpu.memory_space<hbm>>
    %dma_wait3A_330 = arith.constant 0 : i32
    %dma_wait3A_331 = tpu.memref_slice %arg4[%add3A_327, %dma_wait3A_330] : memref<2048x8192xf32, #tpu.memory_space<hbm>> -> memref<4x8192xf32, #tpu.memory_space<hbm>>
    tpu.wait_dma2 semaphore(%arg12 : memref<!tpu.dma_semaphore, #tpu.memory_space<semaphore_mem>>) src(%arg6 : memref<4x8192xf32, #tpu.memory_space<vmem>>) dst(%dma_wait3A_331 : memref<4x8192xf32, #tpu.memory_space<hbm>>)
    %add3A_332 = arith.constant 24 : i32
    %add3A_333 = arith.addi %mul3A_2, %add3A_332 : i32
    %dma_start3A_334 = arith.constant 0 : i32
    %dma_start3A_335 = tpu.memref_slice %arg2[%add3A_333, %dma_start3A_334] : memref<2048x8192xf32, #tpu.memory_space<hbm>> -> memref<4x8192xf32, #tpu.memory_space<hbm>>
    %dma_start3A_336 = arith.constant 0 : i32
    %dma_start3A_337 = tpu.memref_slice %arg2[%add3A_333, %dma_start3A_336] : memref<2048x8192xf32, #tpu.memory_space<hbm>> -> memref<4x8192xf32, #tpu.memory_space<hbm>>
    tpu.enqueue_dma source(%dma_start3A_337 : memref<4x8192xf32, #tpu.memory_space<hbm>>) target(%arg6 : memref<4x8192xf32, #tpu.memory_space<vmem>>) target_semaphore(%arg9 : memref<!tpu.dma_semaphore, #tpu.memory_space<semaphore_mem>>)
    %add3A_338 = arith.constant 16 : i32
    %add3A_339 = arith.addi %mul3A_2, %add3A_338 : i32
    %dma_wait3A_340 = arith.constant 0 : i32
    %dma_wait3A_341 = tpu.memref_slice %arg2[%add3A_339, %dma_wait3A_340] : memref<2048x8192xf32, #tpu.memory_space<hbm>> -> memref<4x8192xf32, #tpu.memory_space<hbm>>
    %dma_wait3A_342 = arith.constant 0 : i32
    %dma_wait3A_343 = tpu.memref_slice %arg2[%add3A_339, %dma_wait3A_342] : memref<2048x8192xf32, #tpu.memory_space<hbm>> -> memref<4x8192xf32, #tpu.memory_space<hbm>>
    tpu.wait_dma2 semaphore(%arg10 : memref<!tpu.dma_semaphore, #tpu.memory_space<semaphore_mem>>) src(%dma_wait3A_343 : memref<4x8192xf32, #tpu.memory_space<hbm>>) dst(%arg7 : memref<4x8192xf32, #tpu.memory_space<vmem>>)
    %add3A_344 = arith.constant 16 : i32
    %add3A_345 = arith.addi %select_n3A_32, %add3A_344 : i32
    %broadcast_in_dim3A_346 = vector.broadcast %add3A_345 : i32 to vector<16xi32>
    %add3A_347 = arith.addi %broadcast_in_dim3A_346, %min3A : vector<16xi32>
    %ge3A_348 = arith.cmpi sge, %add3A_347, %broadcast_in_dim3A_37 : vector<16xi32>
    %le3A_349 = arith.cmpi sle, %shift_right_logical3A, %broadcast_in_dim3A_46 : vector<16xi32>
    %and3A_350 = arith.andi %ge3A_348, %le3A_349 : vector<16xi1>
    %sub3A_351 = arith.subi %add3A_347, %broadcast_in_dim3A_37 : vector<16xi32>
    %add3A_352 = arith.addi %sub3A_351, %and3A_42 : vector<16xi32>
    %max3A_353 = arith.maxsi %add3A_352, %broadcast_in_dim3A_33 : vector<16xi32>
    %gather3A_354 = tpu.vector_load_idx %arg5[%max3A_353] : memref<256xi32, #tpu.memory_space<vmem>>[vector<16xi32>], vector<16xi32>,
    %broadcast_in_dim3A_355 = arith.constant 0 : i32
    %broadcast_in_dim3A_356 = vector.broadcast %broadcast_in_dim3A_355 : i32 to vector<16xi32>
    %add3A_357 = arith.addi %sub3A_351, %broadcast_in_dim3A_356 : vector<16xi32>
    %max3A_358 = arith.maxsi %add3A_357, %broadcast_in_dim3A_33 : vector<16xi32>
    %gather3A_359 = tpu.vector_load_idx %arg5[%max3A_358] : memref<256xi32, #tpu.memory_space<vmem>>[vector<16xi32>], vector<16xi32>,
    %eq3A_360 = arith.cmpi eq, %gather3A_359, %gather3A_354 : vector<16xi32>
    %select_n3A_361 = arith.select %eq3A_360, %broadcast_in_dim3A_35, %broadcast_in_dim3A_33 : vector<16xi1>, vector<16xi32>
    %broadcast_in_dim3A_362 = arith.constant 1 : i32
    %broadcast_in_dim3A_363 = vector.broadcast %broadcast_in_dim3A_362 : i32 to vector<16xi32>
    %add3A_364 = arith.addi %sub3A_351, %broadcast_in_dim3A_363 : vector<16xi32>
    %max3A_365 = arith.maxsi %add3A_364, %broadcast_in_dim3A_33 : vector<16xi32>
    %gather3A_366 = tpu.vector_load_idx %arg5[%max3A_365] : memref<256xi32, #tpu.memory_space<vmem>>[vector<16xi32>], vector<16xi32>,
    %eq3A_367 = arith.cmpi eq, %gather3A_366, %gather3A_354 : vector<16xi32>
    %select_n3A_368 = arith.select %eq3A_367, %broadcast_in_dim3A_35, %broadcast_in_dim3A_33 : vector<16xi1>, vector<16xi32>
    %add3A_369 = arith.addi %select_n3A_361, %select_n3A_368 : vector<16xi32>
    %broadcast_in_dim3A_370 = arith.constant 2 : i32
    %broadcast_in_dim3A_371 = vector.broadcast %broadcast_in_dim3A_370 : i32 to vector<16xi32>
    %add3A_372 = arith.addi %sub3A_351, %broadcast_in_dim3A_371 : vector<16xi32>
    %max3A_373 = arith.maxsi %add3A_372, %broadcast_in_dim3A_33 : vector<16xi32>
    %gather3A_374 = tpu.vector_load_idx %arg5[%max3A_373] : memref<256xi32, #tpu.memory_space<vmem>>[vector<16xi32>], vector<16xi32>,
    %eq3A_375 = arith.cmpi eq, %gather3A_374, %gather3A_354 : vector<16xi32>
    %select_n3A_376 = arith.select %eq3A_375, %broadcast_in_dim3A_35, %broadcast_in_dim3A_33 : vector<16xi1>, vector<16xi32>
    %add3A_377 = arith.addi %add3A_369, %select_n3A_376 : vector<16xi32>
    %broadcast_in_dim3A_378 = arith.constant 3 : i32
    %broadcast_in_dim3A_379 = vector.broadcast %broadcast_in_dim3A_378 : i32 to vector<16xi32>
    %add3A_380 = arith.addi %sub3A_351, %broadcast_in_dim3A_379 : vector<16xi32>
    %max3A_381 = arith.maxsi %add3A_380, %broadcast_in_dim3A_33 : vector<16xi32>
    %gather3A_382 = tpu.vector_load_idx %arg5[%max3A_381] : memref<256xi32, #tpu.memory_space<vmem>>[vector<16xi32>], vector<16xi32>,
    %eq3A_383 = arith.cmpi eq, %gather3A_382, %gather3A_354 : vector<16xi32>
    %select_n3A_384 = arith.select %eq3A_383, %broadcast_in_dim3A_35, %broadcast_in_dim3A_33 : vector<16xi1>, vector<16xi32>
    %add3A_385 = arith.addi %add3A_377, %select_n3A_384 : vector<16xi32>
    %gather3A_386 = tpu.vector_load_idx %arg7[%min3A, %gather3A_354] : memref<4x8192xf32, #tpu.memory_space<vmem>>[vector<16xi32>, vector<16xi32>], vector<16xf32>,
    %convert_element_type3A_387 = arith.sitofp %add3A_385 : vector<16xi32> to vector<16xf32>
    %mul3A_388 = arith.mulf %broadcast_in_dim3A_44, %convert_element_type3A_387 : vector<16xf32>
    %sub3A_389 = arith.subf %gather3A_386, %mul3A_388 : vector<16xf32>
    tpu.vector_store_idx %arg7[%min3A, %gather3A_354], %sub3A_389 masked %and3A_350 : memref<4x8192xf32, #tpu.memory_space<vmem>>[vector<16xi32>, vector<16xi32>], vector<16xf32>, vector<16xi1>
    %add3A_390 = arith.constant 16 : i32
    %add3A_391 = arith.addi %mul3A_2, %add3A_390 : i32
    %dma_start3A_392 = arith.constant 0 : i32
    %dma_start3A_393 = tpu.memref_slice %arg4[%add3A_391, %dma_start3A_392] : memref<2048x8192xf32, #tpu.memory_space<hbm>> -> memref<4x8192xf32, #tpu.memory_space<hbm>>
    %dma_start3A_394 = arith.constant 0 : i32
    %dma_start3A_395 = tpu.memref_slice %arg4[%add3A_391, %dma_start3A_394] : memref<2048x8192xf32, #tpu.memory_space<hbm>> -> memref<4x8192xf32, #tpu.memory_space<hbm>>
    tpu.enqueue_dma source(%arg7 : memref<4x8192xf32, #tpu.memory_space<vmem>>) target(%dma_start3A_395 : memref<4x8192xf32, #tpu.memory_space<hbm>>) target_semaphore(%arg13 : memref<!tpu.dma_semaphore, #tpu.memory_space<semaphore_mem>>)
    %add3A_396 = arith.constant 16 : i32
    %add3A_397 = arith.addi %mul3A_2, %add3A_396 : i32
    %dma_wait3A_398 = arith.constant 0 : i32
    %dma_wait3A_399 = tpu.memref_slice %arg4[%add3A_397, %dma_wait3A_398] : memref<2048x8192xf32, #tpu.memory_space<hbm>> -> memref<4x8192xf32, #tpu.memory_space<hbm>>
    %dma_wait3A_400 = arith.constant 0 : i32
    %dma_wait3A_401 = tpu.memref_slice %arg4[%add3A_397, %dma_wait3A_400] : memref<2048x8192xf32, #tpu.memory_space<hbm>> -> memref<4x8192xf32, #tpu.memory_space<hbm>>
    tpu.wait_dma2 semaphore(%arg13 : memref<!tpu.dma_semaphore, #tpu.memory_space<semaphore_mem>>) src(%arg7 : memref<4x8192xf32, #tpu.memory_space<vmem>>) dst(%dma_wait3A_401 : memref<4x8192xf32, #tpu.memory_space<hbm>>)
    %add3A_402 = arith.constant 28 : i32
    %add3A_403 = arith.addi %mul3A_2, %add3A_402 : i32
    %dma_start3A_404 = arith.constant 0 : i32
    %dma_start3A_405 = tpu.memref_slice %arg2[%add3A_403, %dma_start3A_404] : memref<2048x8192xf32, #tpu.memory_space<hbm>> -> memref<4x8192xf32, #tpu.memory_space<hbm>>
    %dma_start3A_406 = arith.constant 0 : i32
    %dma_start3A_407 = tpu.memref_slice %arg2[%add3A_403, %dma_start3A_406] : memref<2048x8192xf32, #tpu.memory_space<hbm>> -> memref<4x8192xf32, #tpu.memory_space<hbm>>
    tpu.enqueue_dma source(%dma_start3A_407 : memref<4x8192xf32, #tpu.memory_space<hbm>>) target(%arg7 : memref<4x8192xf32, #tpu.memory_space<vmem>>) target_semaphore(%arg10 : memref<!tpu.dma_semaphore, #tpu.memory_space<semaphore_mem>>)
    %add3A_408 = arith.constant 20 : i32
    %add3A_409 = arith.addi %mul3A_2, %add3A_408 : i32
    %dma_wait3A_410 = arith.constant 0 : i32
    %dma_wait3A_411 = tpu.memref_slice %arg2[%add3A_409, %dma_wait3A_410] : memref<2048x8192xf32, #tpu.memory_space<hbm>> -> memref<4x8192xf32, #tpu.memory_space<hbm>>
    %dma_wait3A_412 = arith.constant 0 : i32
    %dma_wait3A_413 = tpu.memref_slice %arg2[%add3A_409, %dma_wait3A_412] : memref<2048x8192xf32, #tpu.memory_space<hbm>> -> memref<4x8192xf32, #tpu.memory_space<hbm>>
    tpu.wait_dma2 semaphore(%arg11 : memref<!tpu.dma_semaphore, #tpu.memory_space<semaphore_mem>>) src(%dma_wait3A_413 : memref<4x8192xf32, #tpu.memory_space<hbm>>) dst(%arg8 : memref<4x8192xf32, #tpu.memory_space<vmem>>)
    %add3A_414 = arith.constant 20 : i32
    %add3A_415 = arith.addi %select_n3A_32, %add3A_414 : i32
    %broadcast_in_dim3A_416 = vector.broadcast %add3A_415 : i32 to vector<16xi32>
    %add3A_417 = arith.addi %broadcast_in_dim3A_416, %min3A : vector<16xi32>
    %ge3A_418 = arith.cmpi sge, %add3A_417, %broadcast_in_dim3A_37 : vector<16xi32>
    %le3A_419 = arith.cmpi sle, %shift_right_logical3A, %broadcast_in_dim3A_46 : vector<16xi32>
    %and3A_420 = arith.andi %ge3A_418, %le3A_419 : vector<16xi1>
    %sub3A_421 = arith.subi %add3A_417, %broadcast_in_dim3A_37 : vector<16xi32>
    %add3A_422 = arith.addi %sub3A_421, %and3A_42 : vector<16xi32>
    %max3A_423 = arith.maxsi %add3A_422, %broadcast_in_dim3A_33 : vector<16xi32>
    %gather3A_424 = tpu.vector_load_idx %arg5[%max3A_423] : memref<256xi32, #tpu.memory_space<vmem>>[vector<16xi32>], vector<16xi32>,
    %broadcast_in_dim3A_425 = arith.constant 0 : i32
    %broadcast_in_dim3A_426 = vector.broadcast %broadcast_in_dim3A_425 : i32 to vector<16xi32>
    %add3A_427 = arith.addi %sub3A_421, %broadcast_in_dim3A_426 : vector<16xi32>
    %max3A_428 = arith.maxsi %add3A_427, %broadcast_in_dim3A_33 : vector<16xi32>
    %gather3A_429 = tpu.vector_load_idx %arg5[%max3A_428] : memref<256xi32, #tpu.memory_space<vmem>>[vector<16xi32>], vector<16xi32>,
    %eq3A_430 = arith.cmpi eq, %gather3A_429, %gather3A_424 : vector<16xi32>
    %select_n3A_431 = arith.select %eq3A_430, %broadcast_in_dim3A_35, %broadcast_in_dim3A_33 : vector<16xi1>, vector<16xi32>
    %broadcast_in_dim3A_432 = arith.constant 1 : i32
    %broadcast_in_dim3A_433 = vector.broadcast %broadcast_in_dim3A_432 : i32 to vector<16xi32>
    %add3A_434 = arith.addi %sub3A_421, %broadcast_in_dim3A_433 : vector<16xi32>
    %max3A_435 = arith.maxsi %add3A_434, %broadcast_in_dim3A_33 : vector<16xi32>
    %gather3A_436 = tpu.vector_load_idx %arg5[%max3A_435] : memref<256xi32, #tpu.memory_space<vmem>>[vector<16xi32>], vector<16xi32>,
    %eq3A_437 = arith.cmpi eq, %gather3A_436, %gather3A_424 : vector<16xi32>
    %select_n3A_438 = arith.select %eq3A_437, %broadcast_in_dim3A_35, %broadcast_in_dim3A_33 : vector<16xi1>, vector<16xi32>
    %add3A_439 = arith.addi %select_n3A_431, %select_n3A_438 : vector<16xi32>
    %broadcast_in_dim3A_440 = arith.constant 2 : i32
    %broadcast_in_dim3A_441 = vector.broadcast %broadcast_in_dim3A_440 : i32 to vector<16xi32>
    %add3A_442 = arith.addi %sub3A_421, %broadcast_in_dim3A_441 : vector<16xi32>
    %max3A_443 = arith.maxsi %add3A_442, %broadcast_in_dim3A_33 : vector<16xi32>
    %gather3A_444 = tpu.vector_load_idx %arg5[%max3A_443] : memref<256xi32, #tpu.memory_space<vmem>>[vector<16xi32>], vector<16xi32>,
    %eq3A_445 = arith.cmpi eq, %gather3A_444, %gather3A_424 : vector<16xi32>
    %select_n3A_446 = arith.select %eq3A_445, %broadcast_in_dim3A_35, %broadcast_in_dim3A_33 : vector<16xi1>, vector<16xi32>
    %add3A_447 = arith.addi %add3A_439, %select_n3A_446 : vector<16xi32>
    %broadcast_in_dim3A_448 = arith.constant 3 : i32
    %broadcast_in_dim3A_449 = vector.broadcast %broadcast_in_dim3A_448 : i32 to vector<16xi32>
    %add3A_450 = arith.addi %sub3A_421, %broadcast_in_dim3A_449 : vector<16xi32>
    %max3A_451 = arith.maxsi %add3A_450, %broadcast_in_dim3A_33 : vector<16xi32>
    %gather3A_452 = tpu.vector_load_idx %arg5[%max3A_451] : memref<256xi32, #tpu.memory_space<vmem>>[vector<16xi32>], vector<16xi32>,
    %eq3A_453 = arith.cmpi eq, %gather3A_452, %gather3A_424 : vector<16xi32>
    %select_n3A_454 = arith.select %eq3A_453, %broadcast_in_dim3A_35, %broadcast_in_dim3A_33 : vector<16xi1>, vector<16xi32>
    %add3A_455 = arith.addi %add3A_447, %select_n3A_454 : vector<16xi32>
    %gather3A_456 = tpu.vector_load_idx %arg8[%min3A, %gather3A_424] : memref<4x8192xf32, #tpu.memory_space<vmem>>[vector<16xi32>, vector<16xi32>], vector<16xf32>,
    %convert_element_type3A_457 = arith.sitofp %add3A_455 : vector<16xi32> to vector<16xf32>
    %mul3A_458 = arith.mulf %broadcast_in_dim3A_44, %convert_element_type3A_457 : vector<16xf32>
    %sub3A_459 = arith.subf %gather3A_456, %mul3A_458 : vector<16xf32>
    tpu.vector_store_idx %arg8[%min3A, %gather3A_424], %sub3A_459 masked %and3A_420 : memref<4x8192xf32, #tpu.memory_space<vmem>>[vector<16xi32>, vector<16xi32>], vector<16xf32>, vector<16xi1>
    %add3A_460 = arith.constant 20 : i32
    %add3A_461 = arith.addi %mul3A_2, %add3A_460 : i32
    %dma_start3A_462 = arith.constant 0 : i32
    %dma_start3A_463 = tpu.memref_slice %arg4[%add3A_461, %dma_start3A_462] : memref<2048x8192xf32, #tpu.memory_space<hbm>> -> memref<4x8192xf32, #tpu.memory_space<hbm>>
    %dma_start3A_464 = arith.constant 0 : i32
    %dma_start3A_465 = tpu.memref_slice %arg4[%add3A_461, %dma_start3A_464] : memref<2048x8192xf32, #tpu.memory_space<hbm>> -> memref<4x8192xf32, #tpu.memory_space<hbm>>
    tpu.enqueue_dma source(%arg8 : memref<4x8192xf32, #tpu.memory_space<vmem>>) target(%dma_start3A_465 : memref<4x8192xf32, #tpu.memory_space<hbm>>) target_semaphore(%arg14 : memref<!tpu.dma_semaphore, #tpu.memory_space<semaphore_mem>>)
    %add3A_466 = arith.constant 20 : i32
    %add3A_467 = arith.addi %mul3A_2, %add3A_466 : i32
    %dma_wait3A_468 = arith.constant 0 : i32
    %dma_wait3A_469 = tpu.memref_slice %arg4[%add3A_467, %dma_wait3A_468] : memref<2048x8192xf32, #tpu.memory_space<hbm>> -> memref<4x8192xf32, #tpu.memory_space<hbm>>
    %dma_wait3A_470 = arith.constant 0 : i32
    %dma_wait3A_471 = tpu.memref_slice %arg4[%add3A_467, %dma_wait3A_470] : memref<2048x8192xf32, #tpu.memory_space<hbm>> -> memref<4x8192xf32, #tpu.memory_space<hbm>>
    tpu.wait_dma2 semaphore(%arg14 : memref<!tpu.dma_semaphore, #tpu.memory_space<semaphore_mem>>) src(%arg8 : memref<4x8192xf32, #tpu.memory_space<vmem>>) dst(%dma_wait3A_471 : memref<4x8192xf32, #tpu.memory_space<hbm>>)
    %add3A_472 = arith.constant 32 : i32
    %add3A_473 = arith.addi %mul3A_2, %add3A_472 : i32
    %dma_start3A_474 = arith.constant 0 : i32
    %dma_start3A_475 = tpu.memref_slice %arg2[%add3A_473, %dma_start3A_474] : memref<2048x8192xf32, #tpu.memory_space<hbm>> -> memref<4x8192xf32, #tpu.memory_space<hbm>>
    %dma_start3A_476 = arith.constant 0 : i32
    %dma_start3A_477 = tpu.memref_slice %arg2[%add3A_473, %dma_start3A_476] : memref<2048x8192xf32, #tpu.memory_space<hbm>> -> memref<4x8192xf32, #tpu.memory_space<hbm>>
    tpu.enqueue_dma source(%dma_start3A_477 : memref<4x8192xf32, #tpu.memory_space<hbm>>) target(%arg8 : memref<4x8192xf32, #tpu.memory_space<vmem>>) target_semaphore(%arg11 : memref<!tpu.dma_semaphore, #tpu.memory_space<semaphore_mem>>)
    %add3A_478 = arith.constant 24 : i32
    %add3A_479 = arith.addi %mul3A_2, %add3A_478 : i32
    %dma_wait3A_480 = arith.constant 0 : i32
    %dma_wait3A_481 = tpu.memref_slice %arg2[%add3A_479, %dma_wait3A_480] : memref<2048x8192xf32, #tpu.memory_space<hbm>> -> memref<4x8192xf32, #tpu.memory_space<hbm>>
    %dma_wait3A_482 = arith.constant 0 : i32
    %dma_wait3A_483 = tpu.memref_slice %arg2[%add3A_479, %dma_wait3A_482] : memref<2048x8192xf32, #tpu.memory_space<hbm>> -> memref<4x8192xf32, #tpu.memory_space<hbm>>
    tpu.wait_dma2 semaphore(%arg9 : memref<!tpu.dma_semaphore, #tpu.memory_space<semaphore_mem>>) src(%dma_wait3A_483 : memref<4x8192xf32, #tpu.memory_space<hbm>>) dst(%arg6 : memref<4x8192xf32, #tpu.memory_space<vmem>>)
    %add3A_484 = arith.constant 24 : i32
    %add3A_485 = arith.addi %select_n3A_32, %add3A_484 : i32
    %broadcast_in_dim3A_486 = vector.broadcast %add3A_485 : i32 to vector<16xi32>
    %add3A_487 = arith.addi %broadcast_in_dim3A_486, %min3A : vector<16xi32>
    %ge3A_488 = arith.cmpi sge, %add3A_487, %broadcast_in_dim3A_37 : vector<16xi32>
    %le3A_489 = arith.cmpi sle, %shift_right_logical3A, %broadcast_in_dim3A_46 : vector<16xi32>
    %and3A_490 = arith.andi %ge3A_488, %le3A_489 : vector<16xi1>
    %sub3A_491 = arith.subi %add3A_487, %broadcast_in_dim3A_37 : vector<16xi32>
    %add3A_492 = arith.addi %sub3A_491, %and3A_42 : vector<16xi32>
    %max3A_493 = arith.maxsi %add3A_492, %broadcast_in_dim3A_33 : vector<16xi32>
    %gather3A_494 = tpu.vector_load_idx %arg5[%max3A_493] : memref<256xi32, #tpu.memory_space<vmem>>[vector<16xi32>], vector<16xi32>,
    %broadcast_in_dim3A_495 = arith.constant 0 : i32
    %broadcast_in_dim3A_496 = vector.broadcast %broadcast_in_dim3A_495 : i32 to vector<16xi32>
    %add3A_497 = arith.addi %sub3A_491, %broadcast_in_dim3A_496 : vector<16xi32>
    %max3A_498 = arith.maxsi %add3A_497, %broadcast_in_dim3A_33 : vector<16xi32>
    %gather3A_499 = tpu.vector_load_idx %arg5[%max3A_498] : memref<256xi32, #tpu.memory_space<vmem>>[vector<16xi32>], vector<16xi32>,
    %eq3A_500 = arith.cmpi eq, %gather3A_499, %gather3A_494 : vector<16xi32>
    %select_n3A_501 = arith.select %eq3A_500, %broadcast_in_dim3A_35, %broadcast_in_dim3A_33 : vector<16xi1>, vector<16xi32>
    %broadcast_in_dim3A_502 = arith.constant 1 : i32
    %broadcast_in_dim3A_503 = vector.broadcast %broadcast_in_dim3A_502 : i32 to vector<16xi32>
    %add3A_504 = arith.addi %sub3A_491, %broadcast_in_dim3A_503 : vector<16xi32>
    %max3A_505 = arith.maxsi %add3A_504, %broadcast_in_dim3A_33 : vector<16xi32>
    %gather3A_506 = tpu.vector_load_idx %arg5[%max3A_505] : memref<256xi32, #tpu.memory_space<vmem>>[vector<16xi32>], vector<16xi32>,
    %eq3A_507 = arith.cmpi eq, %gather3A_506, %gather3A_494 : vector<16xi32>
    %select_n3A_508 = arith.select %eq3A_507, %broadcast_in_dim3A_35, %broadcast_in_dim3A_33 : vector<16xi1>, vector<16xi32>
    %add3A_509 = arith.addi %select_n3A_501, %select_n3A_508 : vector<16xi32>
    %broadcast_in_dim3A_510 = arith.constant 2 : i32
    %broadcast_in_dim3A_511 = vector.broadcast %broadcast_in_dim3A_510 : i32 to vector<16xi32>
    %add3A_512 = arith.addi %sub3A_491, %broadcast_in_dim3A_511 : vector<16xi32>
    %max3A_513 = arith.maxsi %add3A_512, %broadcast_in_dim3A_33 : vector<16xi32>
    %gather3A_514 = tpu.vector_load_idx %arg5[%max3A_513] : memref<256xi32, #tpu.memory_space<vmem>>[vector<16xi32>], vector<16xi32>,
    %eq3A_515 = arith.cmpi eq, %gather3A_514, %gather3A_494 : vector<16xi32>
    %select_n3A_516 = arith.select %eq3A_515, %broadcast_in_dim3A_35, %broadcast_in_dim3A_33 : vector<16xi1>, vector<16xi32>
    %add3A_517 = arith.addi %add3A_509, %select_n3A_516 : vector<16xi32>
    %broadcast_in_dim3A_518 = arith.constant 3 : i32
    %broadcast_in_dim3A_519 = vector.broadcast %broadcast_in_dim3A_518 : i32 to vector<16xi32>
    %add3A_520 = arith.addi %sub3A_491, %broadcast_in_dim3A_519 : vector<16xi32>
    %max3A_521 = arith.maxsi %add3A_520, %broadcast_in_dim3A_33 : vector<16xi32>
    %gather3A_522 = tpu.vector_load_idx %arg5[%max3A_521] : memref<256xi32, #tpu.memory_space<vmem>>[vector<16xi32>], vector<16xi32>,
    %eq3A_523 = arith.cmpi eq, %gather3A_522, %gather3A_494 : vector<16xi32>
    %select_n3A_524 = arith.select %eq3A_523, %broadcast_in_dim3A_35, %broadcast_in_dim3A_33 : vector<16xi1>, vector<16xi32>
    %add3A_525 = arith.addi %add3A_517, %select_n3A_524 : vector<16xi32>
    %gather3A_526 = tpu.vector_load_idx %arg6[%min3A, %gather3A_494] : memref<4x8192xf32, #tpu.memory_space<vmem>>[vector<16xi32>, vector<16xi32>], vector<16xf32>,
    %convert_element_type3A_527 = arith.sitofp %add3A_525 : vector<16xi32> to vector<16xf32>
    %mul3A_528 = arith.mulf %broadcast_in_dim3A_44, %convert_element_type3A_527 : vector<16xf32>
    %sub3A_529 = arith.subf %gather3A_526, %mul3A_528 : vector<16xf32>
    tpu.vector_store_idx %arg6[%min3A, %gather3A_494], %sub3A_529 masked %and3A_490 : memref<4x8192xf32, #tpu.memory_space<vmem>>[vector<16xi32>, vector<16xi32>], vector<16xf32>, vector<16xi1>
    %add3A_530 = arith.constant 24 : i32
    %add3A_531 = arith.addi %mul3A_2, %add3A_530 : i32
    %dma_start3A_532 = arith.constant 0 : i32
    %dma_start3A_533 = tpu.memref_slice %arg4[%add3A_531, %dma_start3A_532] : memref<2048x8192xf32, #tpu.memory_space<hbm>> -> memref<4x8192xf32, #tpu.memory_space<hbm>>
    %dma_start3A_534 = arith.constant 0 : i32
    %dma_start3A_535 = tpu.memref_slice %arg4[%add3A_531, %dma_start3A_534] : memref<2048x8192xf32, #tpu.memory_space<hbm>> -> memref<4x8192xf32, #tpu.memory_space<hbm>>
    tpu.enqueue_dma source(%arg6 : memref<4x8192xf32, #tpu.memory_space<vmem>>) target(%dma_start3A_535 : memref<4x8192xf32, #tpu.memory_space<hbm>>) target_semaphore(%arg12 : memref<!tpu.dma_semaphore, #tpu.memory_space<semaphore_mem>>)
    %add3A_536 = arith.constant 24 : i32
    %add3A_537 = arith.addi %mul3A_2, %add3A_536 : i32
    %dma_wait3A_538 = arith.constant 0 : i32
    %dma_wait3A_539 = tpu.memref_slice %arg4[%add3A_537, %dma_wait3A_538] : memref<2048x8192xf32, #tpu.memory_space<hbm>> -> memref<4x8192xf32, #tpu.memory_space<hbm>>
    %dma_wait3A_540 = arith.constant 0 : i32
    %dma_wait3A_541 = tpu.memref_slice %arg4[%add3A_537, %dma_wait3A_540] : memref<2048x8192xf32, #tpu.memory_space<hbm>> -> memref<4x8192xf32, #tpu.memory_space<hbm>>
    tpu.wait_dma2 semaphore(%arg12 : memref<!tpu.dma_semaphore, #tpu.memory_space<semaphore_mem>>) src(%arg6 : memref<4x8192xf32, #tpu.memory_space<vmem>>) dst(%dma_wait3A_541 : memref<4x8192xf32, #tpu.memory_space<hbm>>)
    %add3A_542 = arith.constant 36 : i32
    %add3A_543 = arith.addi %mul3A_2, %add3A_542 : i32
    %dma_start3A_544 = arith.constant 0 : i32
    %dma_start3A_545 = tpu.memref_slice %arg2[%add3A_543, %dma_start3A_544] : memref<2048x8192xf32, #tpu.memory_space<hbm>> -> memref<4x8192xf32, #tpu.memory_space<hbm>>
    %dma_start3A_546 = arith.constant 0 : i32
    %dma_start3A_547 = tpu.memref_slice %arg2[%add3A_543, %dma_start3A_546] : memref<2048x8192xf32, #tpu.memory_space<hbm>> -> memref<4x8192xf32, #tpu.memory_space<hbm>>
    tpu.enqueue_dma source(%dma_start3A_547 : memref<4x8192xf32, #tpu.memory_space<hbm>>) target(%arg6 : memref<4x8192xf32, #tpu.memory_space<vmem>>) target_semaphore(%arg9 : memref<!tpu.dma_semaphore, #tpu.memory_space<semaphore_mem>>)
    %add3A_548 = arith.constant 28 : i32
    %add3A_549 = arith.addi %mul3A_2, %add3A_548 : i32
    %dma_wait3A_550 = arith.constant 0 : i32
    %dma_wait3A_551 = tpu.memref_slice %arg2[%add3A_549, %dma_wait3A_550] : memref<2048x8192xf32, #tpu.memory_space<hbm>> -> memref<4x8192xf32, #tpu.memory_space<hbm>>
    %dma_wait3A_552 = arith.constant 0 : i32
    %dma_wait3A_553 = tpu.memref_slice %arg2[%add3A_549, %dma_wait3A_552] : memref<2048x8192xf32, #tpu.memory_space<hbm>> -> memref<4x8192xf32, #tpu.memory_space<hbm>>
    tpu.wait_dma2 semaphore(%arg10 : memref<!tpu.dma_semaphore, #tpu.memory_space<semaphore_mem>>) src(%dma_wait3A_553 : memref<4x8192xf32, #tpu.memory_space<hbm>>) dst(%arg7 : memref<4x8192xf32, #tpu.memory_space<vmem>>)
    %add3A_554 = arith.constant 28 : i32
    %add3A_555 = arith.addi %select_n3A_32, %add3A_554 : i32
    %broadcast_in_dim3A_556 = vector.broadcast %add3A_555 : i32 to vector<16xi32>
    %add3A_557 = arith.addi %broadcast_in_dim3A_556, %min3A : vector<16xi32>
    %ge3A_558 = arith.cmpi sge, %add3A_557, %broadcast_in_dim3A_37 : vector<16xi32>
    %le3A_559 = arith.cmpi sle, %shift_right_logical3A, %broadcast_in_dim3A_46 : vector<16xi32>
    %and3A_560 = arith.andi %ge3A_558, %le3A_559 : vector<16xi1>
    %sub3A_561 = arith.subi %add3A_557, %broadcast_in_dim3A_37 : vector<16xi32>
    %add3A_562 = arith.addi %sub3A_561, %and3A_42 : vector<16xi32>
    %max3A_563 = arith.maxsi %add3A_562, %broadcast_in_dim3A_33 : vector<16xi32>
    %gather3A_564 = tpu.vector_load_idx %arg5[%max3A_563] : memref<256xi32, #tpu.memory_space<vmem>>[vector<16xi32>], vector<16xi32>,
    %broadcast_in_dim3A_565 = arith.constant 0 : i32
    %broadcast_in_dim3A_566 = vector.broadcast %broadcast_in_dim3A_565 : i32 to vector<16xi32>
    %add3A_567 = arith.addi %sub3A_561, %broadcast_in_dim3A_566 : vector<16xi32>
    %max3A_568 = arith.maxsi %add3A_567, %broadcast_in_dim3A_33 : vector<16xi32>
    %gather3A_569 = tpu.vector_load_idx %arg5[%max3A_568] : memref<256xi32, #tpu.memory_space<vmem>>[vector<16xi32>], vector<16xi32>,
    %eq3A_570 = arith.cmpi eq, %gather3A_569, %gather3A_564 : vector<16xi32>
    %select_n3A_571 = arith.select %eq3A_570, %broadcast_in_dim3A_35, %broadcast_in_dim3A_33 : vector<16xi1>, vector<16xi32>
    %broadcast_in_dim3A_572 = arith.constant 1 : i32
    %broadcast_in_dim3A_573 = vector.broadcast %broadcast_in_dim3A_572 : i32 to vector<16xi32>
    %add3A_574 = arith.addi %sub3A_561, %broadcast_in_dim3A_573 : vector<16xi32>
    %max3A_575 = arith.maxsi %add3A_574, %broadcast_in_dim3A_33 : vector<16xi32>
    %gather3A_576 = tpu.vector_load_idx %arg5[%max3A_575] : memref<256xi32, #tpu.memory_space<vmem>>[vector<16xi32>], vector<16xi32>,
    %eq3A_577 = arith.cmpi eq, %gather3A_576, %gather3A_564 : vector<16xi32>
    %select_n3A_578 = arith.select %eq3A_577, %broadcast_in_dim3A_35, %broadcast_in_dim3A_33 : vector<16xi1>, vector<16xi32>
    %add3A_579 = arith.addi %select_n3A_571, %select_n3A_578 : vector<16xi32>
    %broadcast_in_dim3A_580 = arith.constant 2 : i32
    %broadcast_in_dim3A_581 = vector.broadcast %broadcast_in_dim3A_580 : i32 to vector<16xi32>
    %add3A_582 = arith.addi %sub3A_561, %broadcast_in_dim3A_581 : vector<16xi32>
    %max3A_583 = arith.maxsi %add3A_582, %broadcast_in_dim3A_33 : vector<16xi32>
    %gather3A_584 = tpu.vector_load_idx %arg5[%max3A_583] : memref<256xi32, #tpu.memory_space<vmem>>[vector<16xi32>], vector<16xi32>,
    %eq3A_585 = arith.cmpi eq, %gather3A_584, %gather3A_564 : vector<16xi32>
    %select_n3A_586 = arith.select %eq3A_585, %broadcast_in_dim3A_35, %broadcast_in_dim3A_33 : vector<16xi1>, vector<16xi32>
    %add3A_587 = arith.addi %add3A_579, %select_n3A_586 : vector<16xi32>
    %broadcast_in_dim3A_588 = arith.constant 3 : i32
    %broadcast_in_dim3A_589 = vector.broadcast %broadcast_in_dim3A_588 : i32 to vector<16xi32>
    %add3A_590 = arith.addi %sub3A_561, %broadcast_in_dim3A_589 : vector<16xi32>
    %max3A_591 = arith.maxsi %add3A_590, %broadcast_in_dim3A_33 : vector<16xi32>
    %gather3A_592 = tpu.vector_load_idx %arg5[%max3A_591] : memref<256xi32, #tpu.memory_space<vmem>>[vector<16xi32>], vector<16xi32>,
    %eq3A_593 = arith.cmpi eq, %gather3A_592, %gather3A_564 : vector<16xi32>
    %select_n3A_594 = arith.select %eq3A_593, %broadcast_in_dim3A_35, %broadcast_in_dim3A_33 : vector<16xi1>, vector<16xi32>
    %add3A_595 = arith.addi %add3A_587, %select_n3A_594 : vector<16xi32>
    %gather3A_596 = tpu.vector_load_idx %arg7[%min3A, %gather3A_564] : memref<4x8192xf32, #tpu.memory_space<vmem>>[vector<16xi32>, vector<16xi32>], vector<16xf32>,
    %convert_element_type3A_597 = arith.sitofp %add3A_595 : vector<16xi32> to vector<16xf32>
    %mul3A_598 = arith.mulf %broadcast_in_dim3A_44, %convert_element_type3A_597 : vector<16xf32>
    %sub3A_599 = arith.subf %gather3A_596, %mul3A_598 : vector<16xf32>
    tpu.vector_store_idx %arg7[%min3A, %gather3A_564], %sub3A_599 masked %and3A_560 : memref<4x8192xf32, #tpu.memory_space<vmem>>[vector<16xi32>, vector<16xi32>], vector<16xf32>, vector<16xi1>
    %add3A_600 = arith.constant 28 : i32
    %add3A_601 = arith.addi %mul3A_2, %add3A_600 : i32
    %dma_start3A_602 = arith.constant 0 : i32
    %dma_start3A_603 = tpu.memref_slice %arg4[%add3A_601, %dma_start3A_602] : memref<2048x8192xf32, #tpu.memory_space<hbm>> -> memref<4x8192xf32, #tpu.memory_space<hbm>>
    %dma_start3A_604 = arith.constant 0 : i32
    %dma_start3A_605 = tpu.memref_slice %arg4[%add3A_601, %dma_start3A_604] : memref<2048x8192xf32, #tpu.memory_space<hbm>> -> memref<4x8192xf32, #tpu.memory_space<hbm>>
    tpu.enqueue_dma source(%arg7 : memref<4x8192xf32, #tpu.memory_space<vmem>>) target(%dma_start3A_605 : memref<4x8192xf32, #tpu.memory_space<hbm>>) target_semaphore(%arg13 : memref<!tpu.dma_semaphore, #tpu.memory_space<semaphore_mem>>)
    %add3A_606 = arith.constant 28 : i32
    %add3A_607 = arith.addi %mul3A_2, %add3A_606 : i32
    %dma_wait3A_608 = arith.constant 0 : i32
    %dma_wait3A_609 = tpu.memref_slice %arg4[%add3A_607, %dma_wait3A_608] : memref<2048x8192xf32, #tpu.memory_space<hbm>> -> memref<4x8192xf32, #tpu.memory_space<hbm>>
    %dma_wait3A_610 = arith.constant 0 : i32
    %dma_wait3A_611 = tpu.memref_slice %arg4[%add3A_607, %dma_wait3A_610] : memref<2048x8192xf32, #tpu.memory_space<hbm>> -> memref<4x8192xf32, #tpu.memory_space<hbm>>
    tpu.wait_dma2 semaphore(%arg13 : memref<!tpu.dma_semaphore, #tpu.memory_space<semaphore_mem>>) src(%arg7 : memref<4x8192xf32, #tpu.memory_space<vmem>>) dst(%dma_wait3A_611 : memref<4x8192xf32, #tpu.memory_space<hbm>>)
    %add3A_612 = arith.constant 40 : i32
    %add3A_613 = arith.addi %mul3A_2, %add3A_612 : i32
    %dma_start3A_614 = arith.constant 0 : i32
    %dma_start3A_615 = tpu.memref_slice %arg2[%add3A_613, %dma_start3A_614] : memref<2048x8192xf32, #tpu.memory_space<hbm>> -> memref<4x8192xf32, #tpu.memory_space<hbm>>
    %dma_start3A_616 = arith.constant 0 : i32
    %dma_start3A_617 = tpu.memref_slice %arg2[%add3A_613, %dma_start3A_616] : memref<2048x8192xf32, #tpu.memory_space<hbm>> -> memref<4x8192xf32, #tpu.memory_space<hbm>>
    tpu.enqueue_dma source(%dma_start3A_617 : memref<4x8192xf32, #tpu.memory_space<hbm>>) target(%arg7 : memref<4x8192xf32, #tpu.memory_space<vmem>>) target_semaphore(%arg10 : memref<!tpu.dma_semaphore, #tpu.memory_space<semaphore_mem>>)
    %add3A_618 = arith.constant 32 : i32
    %add3A_619 = arith.addi %mul3A_2, %add3A_618 : i32
    %dma_wait3A_620 = arith.constant 0 : i32
    %dma_wait3A_621 = tpu.memref_slice %arg2[%add3A_619, %dma_wait3A_620] : memref<2048x8192xf32, #tpu.memory_space<hbm>> -> memref<4x8192xf32, #tpu.memory_space<hbm>>
    %dma_wait3A_622 = arith.constant 0 : i32
    %dma_wait3A_623 = tpu.memref_slice %arg2[%add3A_619, %dma_wait3A_622] : memref<2048x8192xf32, #tpu.memory_space<hbm>> -> memref<4x8192xf32, #tpu.memory_space<hbm>>
    tpu.wait_dma2 semaphore(%arg11 : memref<!tpu.dma_semaphore, #tpu.memory_space<semaphore_mem>>) src(%dma_wait3A_623 : memref<4x8192xf32, #tpu.memory_space<hbm>>) dst(%arg8 : memref<4x8192xf32, #tpu.memory_space<vmem>>)
    %add3A_624 = arith.constant 32 : i32
    %add3A_625 = arith.addi %select_n3A_32, %add3A_624 : i32
    %broadcast_in_dim3A_626 = vector.broadcast %add3A_625 : i32 to vector<16xi32>
    %add3A_627 = arith.addi %broadcast_in_dim3A_626, %min3A : vector<16xi32>
    %ge3A_628 = arith.cmpi sge, %add3A_627, %broadcast_in_dim3A_37 : vector<16xi32>
    %le3A_629 = arith.cmpi sle, %shift_right_logical3A, %broadcast_in_dim3A_46 : vector<16xi32>
    %and3A_630 = arith.andi %ge3A_628, %le3A_629 : vector<16xi1>
    %sub3A_631 = arith.subi %add3A_627, %broadcast_in_dim3A_37 : vector<16xi32>
    %add3A_632 = arith.addi %sub3A_631, %and3A_42 : vector<16xi32>
    %max3A_633 = arith.maxsi %add3A_632, %broadcast_in_dim3A_33 : vector<16xi32>
    %gather3A_634 = tpu.vector_load_idx %arg5[%max3A_633] : memref<256xi32, #tpu.memory_space<vmem>>[vector<16xi32>], vector<16xi32>,
    %broadcast_in_dim3A_635 = arith.constant 0 : i32
    %broadcast_in_dim3A_636 = vector.broadcast %broadcast_in_dim3A_635 : i32 to vector<16xi32>
    %add3A_637 = arith.addi %sub3A_631, %broadcast_in_dim3A_636 : vector<16xi32>
    %max3A_638 = arith.maxsi %add3A_637, %broadcast_in_dim3A_33 : vector<16xi32>
    %gather3A_639 = tpu.vector_load_idx %arg5[%max3A_638] : memref<256xi32, #tpu.memory_space<vmem>>[vector<16xi32>], vector<16xi32>,
    %eq3A_640 = arith.cmpi eq, %gather3A_639, %gather3A_634 : vector<16xi32>
    %select_n3A_641 = arith.select %eq3A_640, %broadcast_in_dim3A_35, %broadcast_in_dim3A_33 : vector<16xi1>, vector<16xi32>
    %broadcast_in_dim3A_642 = arith.constant 1 : i32
    %broadcast_in_dim3A_643 = vector.broadcast %broadcast_in_dim3A_642 : i32 to vector<16xi32>
    %add3A_644 = arith.addi %sub3A_631, %broadcast_in_dim3A_643 : vector<16xi32>
    %max3A_645 = arith.maxsi %add3A_644, %broadcast_in_dim3A_33 : vector<16xi32>
    %gather3A_646 = tpu.vector_load_idx %arg5[%max3A_645] : memref<256xi32, #tpu.memory_space<vmem>>[vector<16xi32>], vector<16xi32>,
    %eq3A_647 = arith.cmpi eq, %gather3A_646, %gather3A_634 : vector<16xi32>
    %select_n3A_648 = arith.select %eq3A_647, %broadcast_in_dim3A_35, %broadcast_in_dim3A_33 : vector<16xi1>, vector<16xi32>
    %add3A_649 = arith.addi %select_n3A_641, %select_n3A_648 : vector<16xi32>
    %broadcast_in_dim3A_650 = arith.constant 2 : i32
    %broadcast_in_dim3A_651 = vector.broadcast %broadcast_in_dim3A_650 : i32 to vector<16xi32>
    %add3A_652 = arith.addi %sub3A_631, %broadcast_in_dim3A_651 : vector<16xi32>
    %max3A_653 = arith.maxsi %add3A_652, %broadcast_in_dim3A_33 : vector<16xi32>
    %gather3A_654 = tpu.vector_load_idx %arg5[%max3A_653] : memref<256xi32, #tpu.memory_space<vmem>>[vector<16xi32>], vector<16xi32>,
    %eq3A_655 = arith.cmpi eq, %gather3A_654, %gather3A_634 : vector<16xi32>
    %select_n3A_656 = arith.select %eq3A_655, %broadcast_in_dim3A_35, %broadcast_in_dim3A_33 : vector<16xi1>, vector<16xi32>
    %add3A_657 = arith.addi %add3A_649, %select_n3A_656 : vector<16xi32>
    %broadcast_in_dim3A_658 = arith.constant 3 : i32
    %broadcast_in_dim3A_659 = vector.broadcast %broadcast_in_dim3A_658 : i32 to vector<16xi32>
    %add3A_660 = arith.addi %sub3A_631, %broadcast_in_dim3A_659 : vector<16xi32>
    %max3A_661 = arith.maxsi %add3A_660, %broadcast_in_dim3A_33 : vector<16xi32>
    %gather3A_662 = tpu.vector_load_idx %arg5[%max3A_661] : memref<256xi32, #tpu.memory_space<vmem>>[vector<16xi32>], vector<16xi32>,
    %eq3A_663 = arith.cmpi eq, %gather3A_662, %gather3A_634 : vector<16xi32>
    %select_n3A_664 = arith.select %eq3A_663, %broadcast_in_dim3A_35, %broadcast_in_dim3A_33 : vector<16xi1>, vector<16xi32>
    %add3A_665 = arith.addi %add3A_657, %select_n3A_664 : vector<16xi32>
    %gather3A_666 = tpu.vector_load_idx %arg8[%min3A, %gather3A_634] : memref<4x8192xf32, #tpu.memory_space<vmem>>[vector<16xi32>, vector<16xi32>], vector<16xf32>,
    %convert_element_type3A_667 = arith.sitofp %add3A_665 : vector<16xi32> to vector<16xf32>
    %mul3A_668 = arith.mulf %broadcast_in_dim3A_44, %convert_element_type3A_667 : vector<16xf32>
    %sub3A_669 = arith.subf %gather3A_666, %mul3A_668 : vector<16xf32>
    tpu.vector_store_idx %arg8[%min3A, %gather3A_634], %sub3A_669 masked %and3A_630 : memref<4x8192xf32, #tpu.memory_space<vmem>>[vector<16xi32>, vector<16xi32>], vector<16xf32>, vector<16xi1>
    %add3A_670 = arith.constant 32 : i32
    %add3A_671 = arith.addi %mul3A_2, %add3A_670 : i32
    %dma_start3A_672 = arith.constant 0 : i32
    %dma_start3A_673 = tpu.memref_slice %arg4[%add3A_671, %dma_start3A_672] : memref<2048x8192xf32, #tpu.memory_space<hbm>> -> memref<4x8192xf32, #tpu.memory_space<hbm>>
    %dma_start3A_674 = arith.constant 0 : i32
    %dma_start3A_675 = tpu.memref_slice %arg4[%add3A_671, %dma_start3A_674] : memref<2048x8192xf32, #tpu.memory_space<hbm>> -> memref<4x8192xf32, #tpu.memory_space<hbm>>
    tpu.enqueue_dma source(%arg8 : memref<4x8192xf32, #tpu.memory_space<vmem>>) target(%dma_start3A_675 : memref<4x8192xf32, #tpu.memory_space<hbm>>) target_semaphore(%arg14 : memref<!tpu.dma_semaphore, #tpu.memory_space<semaphore_mem>>)
    %add3A_676 = arith.constant 32 : i32
    %add3A_677 = arith.addi %mul3A_2, %add3A_676 : i32
    %dma_wait3A_678 = arith.constant 0 : i32
    %dma_wait3A_679 = tpu.memref_slice %arg4[%add3A_677, %dma_wait3A_678] : memref<2048x8192xf32, #tpu.memory_space<hbm>> -> memref<4x8192xf32, #tpu.memory_space<hbm>>
    %dma_wait3A_680 = arith.constant 0 : i32
    %dma_wait3A_681 = tpu.memref_slice %arg4[%add3A_677, %dma_wait3A_680] : memref<2048x8192xf32, #tpu.memory_space<hbm>> -> memref<4x8192xf32, #tpu.memory_space<hbm>>
    tpu.wait_dma2 semaphore(%arg14 : memref<!tpu.dma_semaphore, #tpu.memory_space<semaphore_mem>>) src(%arg8 : memref<4x8192xf32, #tpu.memory_space<vmem>>) dst(%dma_wait3A_681 : memref<4x8192xf32, #tpu.memory_space<hbm>>)
    %add3A_682 = arith.constant 44 : i32
    %add3A_683 = arith.addi %mul3A_2, %add3A_682 : i32
    %dma_start3A_684 = arith.constant 0 : i32
    %dma_start3A_685 = tpu.memref_slice %arg2[%add3A_683, %dma_start3A_684] : memref<2048x8192xf32, #tpu.memory_space<hbm>> -> memref<4x8192xf32, #tpu.memory_space<hbm>>
    %dma_start3A_686 = arith.constant 0 : i32
    %dma_start3A_687 = tpu.memref_slice %arg2[%add3A_683, %dma_start3A_686] : memref<2048x8192xf32, #tpu.memory_space<hbm>> -> memref<4x8192xf32, #tpu.memory_space<hbm>>
    tpu.enqueue_dma source(%dma_start3A_687 : memref<4x8192xf32, #tpu.memory_space<hbm>>) target(%arg8 : memref<4x8192xf32, #tpu.memory_space<vmem>>) target_semaphore(%arg11 : memref<!tpu.dma_semaphore, #tpu.memory_space<semaphore_mem>>)
    %add3A_688 = arith.constant 36 : i32
    %add3A_689 = arith.addi %mul3A_2, %add3A_688 : i32
    %dma_wait3A_690 = arith.constant 0 : i32
    %dma_wait3A_691 = tpu.memref_slice %arg2[%add3A_689, %dma_wait3A_690] : memref<2048x8192xf32, #tpu.memory_space<hbm>> -> memref<4x8192xf32, #tpu.memory_space<hbm>>
    %dma_wait3A_692 = arith.constant 0 : i32
    %dma_wait3A_693 = tpu.memref_slice %arg2[%add3A_689, %dma_wait3A_692] : memref<2048x8192xf32, #tpu.memory_space<hbm>> -> memref<4x8192xf32, #tpu.memory_space<hbm>>
    tpu.wait_dma2 semaphore(%arg9 : memref<!tpu.dma_semaphore, #tpu.memory_space<semaphore_mem>>) src(%dma_wait3A_693 : memref<4x8192xf32, #tpu.memory_space<hbm>>) dst(%arg6 : memref<4x8192xf32, #tpu.memory_space<vmem>>)
    %add3A_694 = arith.constant 36 : i32
    %add3A_695 = arith.addi %select_n3A_32, %add3A_694 : i32
    %broadcast_in_dim3A_696 = vector.broadcast %add3A_695 : i32 to vector<16xi32>
    %add3A_697 = arith.addi %broadcast_in_dim3A_696, %min3A : vector<16xi32>
    %ge3A_698 = arith.cmpi sge, %add3A_697, %broadcast_in_dim3A_37 : vector<16xi32>
    %le3A_699 = arith.cmpi sle, %shift_right_logical3A, %broadcast_in_dim3A_46 : vector<16xi32>
    %and3A_700 = arith.andi %ge3A_698, %le3A_699 : vector<16xi1>
    %sub3A_701 = arith.subi %add3A_697, %broadcast_in_dim3A_37 : vector<16xi32>
    %add3A_702 = arith.addi %sub3A_701, %and3A_42 : vector<16xi32>
    %max3A_703 = arith.maxsi %add3A_702, %broadcast_in_dim3A_33 : vector<16xi32>
    %gather3A_704 = tpu.vector_load_idx %arg5[%max3A_703] : memref<256xi32, #tpu.memory_space<vmem>>[vector<16xi32>], vector<16xi32>,
    %broadcast_in_dim3A_705 = arith.constant 0 : i32
    %broadcast_in_dim3A_706 = vector.broadcast %broadcast_in_dim3A_705 : i32 to vector<16xi32>
    %add3A_707 = arith.addi %sub3A_701, %broadcast_in_dim3A_706 : vector<16xi32>
    %max3A_708 = arith.maxsi %add3A_707, %broadcast_in_dim3A_33 : vector<16xi32>
    %gather3A_709 = tpu.vector_load_idx %arg5[%max3A_708] : memref<256xi32, #tpu.memory_space<vmem>>[vector<16xi32>], vector<16xi32>,
    %eq3A_710 = arith.cmpi eq, %gather3A_709, %gather3A_704 : vector<16xi32>
    %select_n3A_711 = arith.select %eq3A_710, %broadcast_in_dim3A_35, %broadcast_in_dim3A_33 : vector<16xi1>, vector<16xi32>
    %broadcast_in_dim3A_712 = arith.constant 1 : i32
    %broadcast_in_dim3A_713 = vector.broadcast %broadcast_in_dim3A_712 : i32 to vector<16xi32>
    %add3A_714 = arith.addi %sub3A_701, %broadcast_in_dim3A_713 : vector<16xi32>
    %max3A_715 = arith.maxsi %add3A_714, %broadcast_in_dim3A_33 : vector<16xi32>
    %gather3A_716 = tpu.vector_load_idx %arg5[%max3A_715] : memref<256xi32, #tpu.memory_space<vmem>>[vector<16xi32>], vector<16xi32>,
    %eq3A_717 = arith.cmpi eq, %gather3A_716, %gather3A_704 : vector<16xi32>
    %select_n3A_718 = arith.select %eq3A_717, %broadcast_in_dim3A_35, %broadcast_in_dim3A_33 : vector<16xi1>, vector<16xi32>
    %add3A_719 = arith.addi %select_n3A_711, %select_n3A_718 : vector<16xi32>
    %broadcast_in_dim3A_720 = arith.constant 2 : i32
    %broadcast_in_dim3A_721 = vector.broadcast %broadcast_in_dim3A_720 : i32 to vector<16xi32>
    %add3A_722 = arith.addi %sub3A_701, %broadcast_in_dim3A_721 : vector<16xi32>
    %max3A_723 = arith.maxsi %add3A_722, %broadcast_in_dim3A_33 : vector<16xi32>
    %gather3A_724 = tpu.vector_load_idx %arg5[%max3A_723] : memref<256xi32, #tpu.memory_space<vmem>>[vector<16xi32>], vector<16xi32>,
    %eq3A_725 = arith.cmpi eq, %gather3A_724, %gather3A_704 : vector<16xi32>
    %select_n3A_726 = arith.select %eq3A_725, %broadcast_in_dim3A_35, %broadcast_in_dim3A_33 : vector<16xi1>, vector<16xi32>
    %add3A_727 = arith.addi %add3A_719, %select_n3A_726 : vector<16xi32>
    %broadcast_in_dim3A_728 = arith.constant 3 : i32
    %broadcast_in_dim3A_729 = vector.broadcast %broadcast_in_dim3A_728 : i32 to vector<16xi32>
    %add3A_730 = arith.addi %sub3A_701, %broadcast_in_dim3A_729 : vector<16xi32>
    %max3A_731 = arith.maxsi %add3A_730, %broadcast_in_dim3A_33 : vector<16xi32>
    %gather3A_732 = tpu.vector_load_idx %arg5[%max3A_731] : memref<256xi32, #tpu.memory_space<vmem>>[vector<16xi32>], vector<16xi32>,
    %eq3A_733 = arith.cmpi eq, %gather3A_732, %gather3A_704 : vector<16xi32>
    %select_n3A_734 = arith.select %eq3A_733, %broadcast_in_dim3A_35, %broadcast_in_dim3A_33 : vector<16xi1>, vector<16xi32>
    %add3A_735 = arith.addi %add3A_727, %select_n3A_734 : vector<16xi32>
    %gather3A_736 = tpu.vector_load_idx %arg6[%min3A, %gather3A_704] : memref<4x8192xf32, #tpu.memory_space<vmem>>[vector<16xi32>, vector<16xi32>], vector<16xf32>,
    %convert_element_type3A_737 = arith.sitofp %add3A_735 : vector<16xi32> to vector<16xf32>
    %mul3A_738 = arith.mulf %broadcast_in_dim3A_44, %convert_element_type3A_737 : vector<16xf32>
    %sub3A_739 = arith.subf %gather3A_736, %mul3A_738 : vector<16xf32>
    tpu.vector_store_idx %arg6[%min3A, %gather3A_704], %sub3A_739 masked %and3A_700 : memref<4x8192xf32, #tpu.memory_space<vmem>>[vector<16xi32>, vector<16xi32>], vector<16xf32>, vector<16xi1>
    %add3A_740 = arith.constant 36 : i32
    %add3A_741 = arith.addi %mul3A_2, %add3A_740 : i32
    %dma_start3A_742 = arith.constant 0 : i32
    %dma_start3A_743 = tpu.memref_slice %arg4[%add3A_741, %dma_start3A_742] : memref<2048x8192xf32, #tpu.memory_space<hbm>> -> memref<4x8192xf32, #tpu.memory_space<hbm>>
    %dma_start3A_744 = arith.constant 0 : i32
    %dma_start3A_745 = tpu.memref_slice %arg4[%add3A_741, %dma_start3A_744] : memref<2048x8192xf32, #tpu.memory_space<hbm>> -> memref<4x8192xf32, #tpu.memory_space<hbm>>
    tpu.enqueue_dma source(%arg6 : memref<4x8192xf32, #tpu.memory_space<vmem>>) target(%dma_start3A_745 : memref<4x8192xf32, #tpu.memory_space<hbm>>) target_semaphore(%arg12 : memref<!tpu.dma_semaphore, #tpu.memory_space<semaphore_mem>>)
    %add3A_746 = arith.constant 36 : i32
    %add3A_747 = arith.addi %mul3A_2, %add3A_746 : i32
    %dma_wait3A_748 = arith.constant 0 : i32
    %dma_wait3A_749 = tpu.memref_slice %arg4[%add3A_747, %dma_wait3A_748] : memref<2048x8192xf32, #tpu.memory_space<hbm>> -> memref<4x8192xf32, #tpu.memory_space<hbm>>
    %dma_wait3A_750 = arith.constant 0 : i32
    %dma_wait3A_751 = tpu.memref_slice %arg4[%add3A_747, %dma_wait3A_750] : memref<2048x8192xf32, #tpu.memory_space<hbm>> -> memref<4x8192xf32, #tpu.memory_space<hbm>>
    tpu.wait_dma2 semaphore(%arg12 : memref<!tpu.dma_semaphore, #tpu.memory_space<semaphore_mem>>) src(%arg6 : memref<4x8192xf32, #tpu.memory_space<vmem>>) dst(%dma_wait3A_751 : memref<4x8192xf32, #tpu.memory_space<hbm>>)
    %add3A_752 = arith.constant 48 : i32
    %add3A_753 = arith.addi %mul3A_2, %add3A_752 : i32
    %dma_start3A_754 = arith.constant 0 : i32
    %dma_start3A_755 = tpu.memref_slice %arg2[%add3A_753, %dma_start3A_754] : memref<2048x8192xf32, #tpu.memory_space<hbm>> -> memref<4x8192xf32, #tpu.memory_space<hbm>>
    %dma_start3A_756 = arith.constant 0 : i32
    %dma_start3A_757 = tpu.memref_slice %arg2[%add3A_753, %dma_start3A_756] : memref<2048x8192xf32, #tpu.memory_space<hbm>> -> memref<4x8192xf32, #tpu.memory_space<hbm>>
    tpu.enqueue_dma source(%dma_start3A_757 : memref<4x8192xf32, #tpu.memory_space<hbm>>) target(%arg6 : memref<4x8192xf32, #tpu.memory_space<vmem>>) target_semaphore(%arg9 : memref<!tpu.dma_semaphore, #tpu.memory_space<semaphore_mem>>)
    %add3A_758 = arith.constant 40 : i32
    %add3A_759 = arith.addi %mul3A_2, %add3A_758 : i32
    %dma_wait3A_760 = arith.constant 0 : i32
    %dma_wait3A_761 = tpu.memref_slice %arg2[%add3A_759, %dma_wait3A_760] : memref<2048x8192xf32, #tpu.memory_space<hbm>> -> memref<4x8192xf32, #tpu.memory_space<hbm>>
    %dma_wait3A_762 = arith.constant 0 : i32
    %dma_wait3A_763 = tpu.memref_slice %arg2[%add3A_759, %dma_wait3A_762] : memref<2048x8192xf32, #tpu.memory_space<hbm>> -> memref<4x8192xf32, #tpu.memory_space<hbm>>
    tpu.wait_dma2 semaphore(%arg10 : memref<!tpu.dma_semaphore, #tpu.memory_space<semaphore_mem>>) src(%dma_wait3A_763 : memref<4x8192xf32, #tpu.memory_space<hbm>>) dst(%arg7 : memref<4x8192xf32, #tpu.memory_space<vmem>>)
    %add3A_764 = arith.constant 40 : i32
    %add3A_765 = arith.addi %select_n3A_32, %add3A_764 : i32
    %broadcast_in_dim3A_766 = vector.broadcast %add3A_765 : i32 to vector<16xi32>
    %add3A_767 = arith.addi %broadcast_in_dim3A_766, %min3A : vector<16xi32>
    %ge3A_768 = arith.cmpi sge, %add3A_767, %broadcast_in_dim3A_37 : vector<16xi32>
    %le3A_769 = arith.cmpi sle, %shift_right_logical3A, %broadcast_in_dim3A_46 : vector<16xi32>
    %and3A_770 = arith.andi %ge3A_768, %le3A_769 : vector<16xi1>
    %sub3A_771 = arith.subi %add3A_767, %broadcast_in_dim3A_37 : vector<16xi32>
    %add3A_772 = arith.addi %sub3A_771, %and3A_42 : vector<16xi32>
    %max3A_773 = arith.maxsi %add3A_772, %broadcast_in_dim3A_33 : vector<16xi32>
    %gather3A_774 = tpu.vector_load_idx %arg5[%max3A_773] : memref<256xi32, #tpu.memory_space<vmem>>[vector<16xi32>], vector<16xi32>,
    %broadcast_in_dim3A_775 = arith.constant 0 : i32
    %broadcast_in_dim3A_776 = vector.broadcast %broadcast_in_dim3A_775 : i32 to vector<16xi32>
    %add3A_777 = arith.addi %sub3A_771, %broadcast_in_dim3A_776 : vector<16xi32>
    %max3A_778 = arith.maxsi %add3A_777, %broadcast_in_dim3A_33 : vector<16xi32>
    %gather3A_779 = tpu.vector_load_idx %arg5[%max3A_778] : memref<256xi32, #tpu.memory_space<vmem>>[vector<16xi32>], vector<16xi32>,
    %eq3A_780 = arith.cmpi eq, %gather3A_779, %gather3A_774 : vector<16xi32>
    %select_n3A_781 = arith.select %eq3A_780, %broadcast_in_dim3A_35, %broadcast_in_dim3A_33 : vector<16xi1>, vector<16xi32>
    %broadcast_in_dim3A_782 = arith.constant 1 : i32
    %broadcast_in_dim3A_783 = vector.broadcast %broadcast_in_dim3A_782 : i32 to vector<16xi32>
    %add3A_784 = arith.addi %sub3A_771, %broadcast_in_dim3A_783 : vector<16xi32>
    %max3A_785 = arith.maxsi %add3A_784, %broadcast_in_dim3A_33 : vector<16xi32>
    %gather3A_786 = tpu.vector_load_idx %arg5[%max3A_785] : memref<256xi32, #tpu.memory_space<vmem>>[vector<16xi32>], vector<16xi32>,
    %eq3A_787 = arith.cmpi eq, %gather3A_786, %gather3A_774 : vector<16xi32>
    %select_n3A_788 = arith.select %eq3A_787, %broadcast_in_dim3A_35, %broadcast_in_dim3A_33 : vector<16xi1>, vector<16xi32>
    %add3A_789 = arith.addi %select_n3A_781, %select_n3A_788 : vector<16xi32>
    %broadcast_in_dim3A_790 = arith.constant 2 : i32
    %broadcast_in_dim3A_791 = vector.broadcast %broadcast_in_dim3A_790 : i32 to vector<16xi32>
    %add3A_792 = arith.addi %sub3A_771, %broadcast_in_dim3A_791 : vector<16xi32>
    %max3A_793 = arith.maxsi %add3A_792, %broadcast_in_dim3A_33 : vector<16xi32>
    %gather3A_794 = tpu.vector_load_idx %arg5[%max3A_793] : memref<256xi32, #tpu.memory_space<vmem>>[vector<16xi32>], vector<16xi32>,
    %eq3A_795 = arith.cmpi eq, %gather3A_794, %gather3A_774 : vector<16xi32>
    %select_n3A_796 = arith.select %eq3A_795, %broadcast_in_dim3A_35, %broadcast_in_dim3A_33 : vector<16xi1>, vector<16xi32>
    %add3A_797 = arith.addi %add3A_789, %select_n3A_796 : vector<16xi32>
    %broadcast_in_dim3A_798 = arith.constant 3 : i32
    %broadcast_in_dim3A_799 = vector.broadcast %broadcast_in_dim3A_798 : i32 to vector<16xi32>
    %add3A_800 = arith.addi %sub3A_771, %broadcast_in_dim3A_799 : vector<16xi32>
    %max3A_801 = arith.maxsi %add3A_800, %broadcast_in_dim3A_33 : vector<16xi32>
    %gather3A_802 = tpu.vector_load_idx %arg5[%max3A_801] : memref<256xi32, #tpu.memory_space<vmem>>[vector<16xi32>], vector<16xi32>,
    %eq3A_803 = arith.cmpi eq, %gather3A_802, %gather3A_774 : vector<16xi32>
    %select_n3A_804 = arith.select %eq3A_803, %broadcast_in_dim3A_35, %broadcast_in_dim3A_33 : vector<16xi1>, vector<16xi32>
    %add3A_805 = arith.addi %add3A_797, %select_n3A_804 : vector<16xi32>
    %gather3A_806 = tpu.vector_load_idx %arg7[%min3A, %gather3A_774] : memref<4x8192xf32, #tpu.memory_space<vmem>>[vector<16xi32>, vector<16xi32>], vector<16xf32>,
    %convert_element_type3A_807 = arith.sitofp %add3A_805 : vector<16xi32> to vector<16xf32>
    %mul3A_808 = arith.mulf %broadcast_in_dim3A_44, %convert_element_type3A_807 : vector<16xf32>
    %sub3A_809 = arith.subf %gather3A_806, %mul3A_808 : vector<16xf32>
    tpu.vector_store_idx %arg7[%min3A, %gather3A_774], %sub3A_809 masked %and3A_770 : memref<4x8192xf32, #tpu.memory_space<vmem>>[vector<16xi32>, vector<16xi32>], vector<16xf32>, vector<16xi1>
    %add3A_810 = arith.constant 40 : i32
    %add3A_811 = arith.addi %mul3A_2, %add3A_810 : i32
    %dma_start3A_812 = arith.constant 0 : i32
    %dma_start3A_813 = tpu.memref_slice %arg4[%add3A_811, %dma_start3A_812] : memref<2048x8192xf32, #tpu.memory_space<hbm>> -> memref<4x8192xf32, #tpu.memory_space<hbm>>
    %dma_start3A_814 = arith.constant 0 : i32
    %dma_start3A_815 = tpu.memref_slice %arg4[%add3A_811, %dma_start3A_814] : memref<2048x8192xf32, #tpu.memory_space<hbm>> -> memref<4x8192xf32, #tpu.memory_space<hbm>>
    tpu.enqueue_dma source(%arg7 : memref<4x8192xf32, #tpu.memory_space<vmem>>) target(%dma_start3A_815 : memref<4x8192xf32, #tpu.memory_space<hbm>>) target_semaphore(%arg13 : memref<!tpu.dma_semaphore, #tpu.memory_space<semaphore_mem>>)
    %add3A_816 = arith.constant 40 : i32
    %add3A_817 = arith.addi %mul3A_2, %add3A_816 : i32
    %dma_wait3A_818 = arith.constant 0 : i32
    %dma_wait3A_819 = tpu.memref_slice %arg4[%add3A_817, %dma_wait3A_818] : memref<2048x8192xf32, #tpu.memory_space<hbm>> -> memref<4x8192xf32, #tpu.memory_space<hbm>>
    %dma_wait3A_820 = arith.constant 0 : i32
    %dma_wait3A_821 = tpu.memref_slice %arg4[%add3A_817, %dma_wait3A_820] : memref<2048x8192xf32, #tpu.memory_space<hbm>> -> memref<4x8192xf32, #tpu.memory_space<hbm>>
    tpu.wait_dma2 semaphore(%arg13 : memref<!tpu.dma_semaphore, #tpu.memory_space<semaphore_mem>>) src(%arg7 : memref<4x8192xf32, #tpu.memory_space<vmem>>) dst(%dma_wait3A_821 : memref<4x8192xf32, #tpu.memory_space<hbm>>)
    %add3A_822 = arith.constant 52 : i32
    %add3A_823 = arith.addi %mul3A_2, %add3A_822 : i32
    %dma_start3A_824 = arith.constant 0 : i32
    %dma_start3A_825 = tpu.memref_slice %arg2[%add3A_823, %dma_start3A_824] : memref<2048x8192xf32, #tpu.memory_space<hbm>> -> memref<4x8192xf32, #tpu.memory_space<hbm>>
    %dma_start3A_826 = arith.constant 0 : i32
    %dma_start3A_827 = tpu.memref_slice %arg2[%add3A_823, %dma_start3A_826] : memref<2048x8192xf32, #tpu.memory_space<hbm>> -> memref<4x8192xf32, #tpu.memory_space<hbm>>
    tpu.enqueue_dma source(%dma_start3A_827 : memref<4x8192xf32, #tpu.memory_space<hbm>>) target(%arg7 : memref<4x8192xf32, #tpu.memory_space<vmem>>) target_semaphore(%arg10 : memref<!tpu.dma_semaphore, #tpu.memory_space<semaphore_mem>>)
    %add3A_828 = arith.constant 44 : i32
    %add3A_829 = arith.addi %mul3A_2, %add3A_828 : i32
    %dma_wait3A_830 = arith.constant 0 : i32
    %dma_wait3A_831 = tpu.memref_slice %arg2[%add3A_829, %dma_wait3A_830] : memref<2048x8192xf32, #tpu.memory_space<hbm>> -> memref<4x8192xf32, #tpu.memory_space<hbm>>
    %dma_wait3A_832 = arith.constant 0 : i32
    %dma_wait3A_833 = tpu.memref_slice %arg2[%add3A_829, %dma_wait3A_832] : memref<2048x8192xf32, #tpu.memory_space<hbm>> -> memref<4x8192xf32, #tpu.memory_space<hbm>>
    tpu.wait_dma2 semaphore(%arg11 : memref<!tpu.dma_semaphore, #tpu.memory_space<semaphore_mem>>) src(%dma_wait3A_833 : memref<4x8192xf32, #tpu.memory_space<hbm>>) dst(%arg8 : memref<4x8192xf32, #tpu.memory_space<vmem>>)
    %add3A_834 = arith.constant 44 : i32
    %add3A_835 = arith.addi %select_n3A_32, %add3A_834 : i32
    %broadcast_in_dim3A_836 = vector.broadcast %add3A_835 : i32 to vector<16xi32>
    %add3A_837 = arith.addi %broadcast_in_dim3A_836, %min3A : vector<16xi32>
    %ge3A_838 = arith.cmpi sge, %add3A_837, %broadcast_in_dim3A_37 : vector<16xi32>
    %le3A_839 = arith.cmpi sle, %shift_right_logical3A, %broadcast_in_dim3A_46 : vector<16xi32>
    %and3A_840 = arith.andi %ge3A_838, %le3A_839 : vector<16xi1>
    %sub3A_841 = arith.subi %add3A_837, %broadcast_in_dim3A_37 : vector<16xi32>
    %add3A_842 = arith.addi %sub3A_841, %and3A_42 : vector<16xi32>
    %max3A_843 = arith.maxsi %add3A_842, %broadcast_in_dim3A_33 : vector<16xi32>
    %gather3A_844 = tpu.vector_load_idx %arg5[%max3A_843] : memref<256xi32, #tpu.memory_space<vmem>>[vector<16xi32>], vector<16xi32>,
    %broadcast_in_dim3A_845 = arith.constant 0 : i32
    %broadcast_in_dim3A_846 = vector.broadcast %broadcast_in_dim3A_845 : i32 to vector<16xi32>
    %add3A_847 = arith.addi %sub3A_841, %broadcast_in_dim3A_846 : vector<16xi32>
    %max3A_848 = arith.maxsi %add3A_847, %broadcast_in_dim3A_33 : vector<16xi32>
    %gather3A_849 = tpu.vector_load_idx %arg5[%max3A_848] : memref<256xi32, #tpu.memory_space<vmem>>[vector<16xi32>], vector<16xi32>,
    %eq3A_850 = arith.cmpi eq, %gather3A_849, %gather3A_844 : vector<16xi32>
    %select_n3A_851 = arith.select %eq3A_850, %broadcast_in_dim3A_35, %broadcast_in_dim3A_33 : vector<16xi1>, vector<16xi32>
    %broadcast_in_dim3A_852 = arith.constant 1 : i32
    %broadcast_in_dim3A_853 = vector.broadcast %broadcast_in_dim3A_852 : i32 to vector<16xi32>
    %add3A_854 = arith.addi %sub3A_841, %broadcast_in_dim3A_853 : vector<16xi32>
    %max3A_855 = arith.maxsi %add3A_854, %broadcast_in_dim3A_33 : vector<16xi32>
    %gather3A_856 = tpu.vector_load_idx %arg5[%max3A_855] : memref<256xi32, #tpu.memory_space<vmem>>[vector<16xi32>], vector<16xi32>,
    %eq3A_857 = arith.cmpi eq, %gather3A_856, %gather3A_844 : vector<16xi32>
    %select_n3A_858 = arith.select %eq3A_857, %broadcast_in_dim3A_35, %broadcast_in_dim3A_33 : vector<16xi1>, vector<16xi32>
    %add3A_859 = arith.addi %select_n3A_851, %select_n3A_858 : vector<16xi32>
    %broadcast_in_dim3A_860 = arith.constant 2 : i32
    %broadcast_in_dim3A_861 = vector.broadcast %broadcast_in_dim3A_860 : i32 to vector<16xi32>
    %add3A_862 = arith.addi %sub3A_841, %broadcast_in_dim3A_861 : vector<16xi32>
    %max3A_863 = arith.maxsi %add3A_862, %broadcast_in_dim3A_33 : vector<16xi32>
    %gather3A_864 = tpu.vector_load_idx %arg5[%max3A_863] : memref<256xi32, #tpu.memory_space<vmem>>[vector<16xi32>], vector<16xi32>,
    %eq3A_865 = arith.cmpi eq, %gather3A_864, %gather3A_844 : vector<16xi32>
    %select_n3A_866 = arith.select %eq3A_865, %broadcast_in_dim3A_35, %broadcast_in_dim3A_33 : vector<16xi1>, vector<16xi32>
    %add3A_867 = arith.addi %add3A_859, %select_n3A_866 : vector<16xi32>
    %broadcast_in_dim3A_868 = arith.constant 3 : i32
    %broadcast_in_dim3A_869 = vector.broadcast %broadcast_in_dim3A_868 : i32 to vector<16xi32>
    %add3A_870 = arith.addi %sub3A_841, %broadcast_in_dim3A_869 : vector<16xi32>
    %max3A_871 = arith.maxsi %add3A_870, %broadcast_in_dim3A_33 : vector<16xi32>
    %gather3A_872 = tpu.vector_load_idx %arg5[%max3A_871] : memref<256xi32, #tpu.memory_space<vmem>>[vector<16xi32>], vector<16xi32>,
    %eq3A_873 = arith.cmpi eq, %gather3A_872, %gather3A_844 : vector<16xi32>
    %select_n3A_874 = arith.select %eq3A_873, %broadcast_in_dim3A_35, %broadcast_in_dim3A_33 : vector<16xi1>, vector<16xi32>
    %add3A_875 = arith.addi %add3A_867, %select_n3A_874 : vector<16xi32>
    %gather3A_876 = tpu.vector_load_idx %arg8[%min3A, %gather3A_844] : memref<4x8192xf32, #tpu.memory_space<vmem>>[vector<16xi32>, vector<16xi32>], vector<16xf32>,
    %convert_element_type3A_877 = arith.sitofp %add3A_875 : vector<16xi32> to vector<16xf32>
    %mul3A_878 = arith.mulf %broadcast_in_dim3A_44, %convert_element_type3A_877 : vector<16xf32>
    %sub3A_879 = arith.subf %gather3A_876, %mul3A_878 : vector<16xf32>
    tpu.vector_store_idx %arg8[%min3A, %gather3A_844], %sub3A_879 masked %and3A_840 : memref<4x8192xf32, #tpu.memory_space<vmem>>[vector<16xi32>, vector<16xi32>], vector<16xf32>, vector<16xi1>
    %add3A_880 = arith.constant 44 : i32
    %add3A_881 = arith.addi %mul3A_2, %add3A_880 : i32
    %dma_start3A_882 = arith.constant 0 : i32
    %dma_start3A_883 = tpu.memref_slice %arg4[%add3A_881, %dma_start3A_882] : memref<2048x8192xf32, #tpu.memory_space<hbm>> -> memref<4x8192xf32, #tpu.memory_space<hbm>>
    %dma_start3A_884 = arith.constant 0 : i32
    %dma_start3A_885 = tpu.memref_slice %arg4[%add3A_881, %dma_start3A_884] : memref<2048x8192xf32, #tpu.memory_space<hbm>> -> memref<4x8192xf32, #tpu.memory_space<hbm>>
    tpu.enqueue_dma source(%arg8 : memref<4x8192xf32, #tpu.memory_space<vmem>>) target(%dma_start3A_885 : memref<4x8192xf32, #tpu.memory_space<hbm>>) target_semaphore(%arg14 : memref<!tpu.dma_semaphore, #tpu.memory_space<semaphore_mem>>)
    %add3A_886 = arith.constant 44 : i32
    %add3A_887 = arith.addi %mul3A_2, %add3A_886 : i32
    %dma_wait3A_888 = arith.constant 0 : i32
    %dma_wait3A_889 = tpu.memref_slice %arg4[%add3A_887, %dma_wait3A_888] : memref<2048x8192xf32, #tpu.memory_space<hbm>> -> memref<4x8192xf32, #tpu.memory_space<hbm>>
    %dma_wait3A_890 = arith.constant 0 : i32
    %dma_wait3A_891 = tpu.memref_slice %arg4[%add3A_887, %dma_wait3A_890] : memref<2048x8192xf32, #tpu.memory_space<hbm>> -> memref<4x8192xf32, #tpu.memory_space<hbm>>
    tpu.wait_dma2 semaphore(%arg14 : memref<!tpu.dma_semaphore, #tpu.memory_space<semaphore_mem>>) src(%arg8 : memref<4x8192xf32, #tpu.memory_space<vmem>>) dst(%dma_wait3A_891 : memref<4x8192xf32, #tpu.memory_space<hbm>>)
    %add3A_892 = arith.constant 56 : i32
    %add3A_893 = arith.addi %mul3A_2, %add3A_892 : i32
    %dma_start3A_894 = arith.constant 0 : i32
    %dma_start3A_895 = tpu.memref_slice %arg2[%add3A_893, %dma_start3A_894] : memref<2048x8192xf32, #tpu.memory_space<hbm>> -> memref<4x8192xf32, #tpu.memory_space<hbm>>
    %dma_start3A_896 = arith.constant 0 : i32
    %dma_start3A_897 = tpu.memref_slice %arg2[%add3A_893, %dma_start3A_896] : memref<2048x8192xf32, #tpu.memory_space<hbm>> -> memref<4x8192xf32, #tpu.memory_space<hbm>>
    tpu.enqueue_dma source(%dma_start3A_897 : memref<4x8192xf32, #tpu.memory_space<hbm>>) target(%arg8 : memref<4x8192xf32, #tpu.memory_space<vmem>>) target_semaphore(%arg11 : memref<!tpu.dma_semaphore, #tpu.memory_space<semaphore_mem>>)
    %add3A_898 = arith.constant 48 : i32
    %add3A_899 = arith.addi %mul3A_2, %add3A_898 : i32
    %dma_wait3A_900 = arith.constant 0 : i32
    %dma_wait3A_901 = tpu.memref_slice %arg2[%add3A_899, %dma_wait3A_900] : memref<2048x8192xf32, #tpu.memory_space<hbm>> -> memref<4x8192xf32, #tpu.memory_space<hbm>>
    %dma_wait3A_902 = arith.constant 0 : i32
    %dma_wait3A_903 = tpu.memref_slice %arg2[%add3A_899, %dma_wait3A_902] : memref<2048x8192xf32, #tpu.memory_space<hbm>> -> memref<4x8192xf32, #tpu.memory_space<hbm>>
    tpu.wait_dma2 semaphore(%arg9 : memref<!tpu.dma_semaphore, #tpu.memory_space<semaphore_mem>>) src(%dma_wait3A_903 : memref<4x8192xf32, #tpu.memory_space<hbm>>) dst(%arg6 : memref<4x8192xf32, #tpu.memory_space<vmem>>)
    %add3A_904 = arith.constant 48 : i32
    %add3A_905 = arith.addi %select_n3A_32, %add3A_904 : i32
    %broadcast_in_dim3A_906 = vector.broadcast %add3A_905 : i32 to vector<16xi32>
    %add3A_907 = arith.addi %broadcast_in_dim3A_906, %min3A : vector<16xi32>
    %ge3A_908 = arith.cmpi sge, %add3A_907, %broadcast_in_dim3A_37 : vector<16xi32>
    %le3A_909 = arith.cmpi sle, %shift_right_logical3A, %broadcast_in_dim3A_46 : vector<16xi32>
    %and3A_910 = arith.andi %ge3A_908, %le3A_909 : vector<16xi1>
    %sub3A_911 = arith.subi %add3A_907, %broadcast_in_dim3A_37 : vector<16xi32>
    %add3A_912 = arith.addi %sub3A_911, %and3A_42 : vector<16xi32>
    %max3A_913 = arith.maxsi %add3A_912, %broadcast_in_dim3A_33 : vector<16xi32>
    %gather3A_914 = tpu.vector_load_idx %arg5[%max3A_913] : memref<256xi32, #tpu.memory_space<vmem>>[vector<16xi32>], vector<16xi32>,
    %broadcast_in_dim3A_915 = arith.constant 0 : i32
    %broadcast_in_dim3A_916 = vector.broadcast %broadcast_in_dim3A_915 : i32 to vector<16xi32>
    %add3A_917 = arith.addi %sub3A_911, %broadcast_in_dim3A_916 : vector<16xi32>
    %max3A_918 = arith.maxsi %add3A_917, %broadcast_in_dim3A_33 : vector<16xi32>
    %gather3A_919 = tpu.vector_load_idx %arg5[%max3A_918] : memref<256xi32, #tpu.memory_space<vmem>>[vector<16xi32>], vector<16xi32>,
    %eq3A_920 = arith.cmpi eq, %gather3A_919, %gather3A_914 : vector<16xi32>
    %select_n3A_921 = arith.select %eq3A_920, %broadcast_in_dim3A_35, %broadcast_in_dim3A_33 : vector<16xi1>, vector<16xi32>
    %broadcast_in_dim3A_922 = arith.constant 1 : i32
    %broadcast_in_dim3A_923 = vector.broadcast %broadcast_in_dim3A_922 : i32 to vector<16xi32>
    %add3A_924 = arith.addi %sub3A_911, %broadcast_in_dim3A_923 : vector<16xi32>
    %max3A_925 = arith.maxsi %add3A_924, %broadcast_in_dim3A_33 : vector<16xi32>
    %gather3A_926 = tpu.vector_load_idx %arg5[%max3A_925] : memref<256xi32, #tpu.memory_space<vmem>>[vector<16xi32>], vector<16xi32>,
    %eq3A_927 = arith.cmpi eq, %gather3A_926, %gather3A_914 : vector<16xi32>
    %select_n3A_928 = arith.select %eq3A_927, %broadcast_in_dim3A_35, %broadcast_in_dim3A_33 : vector<16xi1>, vector<16xi32>
    %add3A_929 = arith.addi %select_n3A_921, %select_n3A_928 : vector<16xi32>
    %broadcast_in_dim3A_930 = arith.constant 2 : i32
    %broadcast_in_dim3A_931 = vector.broadcast %broadcast_in_dim3A_930 : i32 to vector<16xi32>
    %add3A_932 = arith.addi %sub3A_911, %broadcast_in_dim3A_931 : vector<16xi32>
    %max3A_933 = arith.maxsi %add3A_932, %broadcast_in_dim3A_33 : vector<16xi32>
    %gather3A_934 = tpu.vector_load_idx %arg5[%max3A_933] : memref<256xi32, #tpu.memory_space<vmem>>[vector<16xi32>], vector<16xi32>,
    %eq3A_935 = arith.cmpi eq, %gather3A_934, %gather3A_914 : vector<16xi32>
    %select_n3A_936 = arith.select %eq3A_935, %broadcast_in_dim3A_35, %broadcast_in_dim3A_33 : vector<16xi1>, vector<16xi32>
    %add3A_937 = arith.addi %add3A_929, %select_n3A_936 : vector<16xi32>
    %broadcast_in_dim3A_938 = arith.constant 3 : i32
    %broadcast_in_dim3A_939 = vector.broadcast %broadcast_in_dim3A_938 : i32 to vector<16xi32>
    %add3A_940 = arith.addi %sub3A_911, %broadcast_in_dim3A_939 : vector<16xi32>
    %max3A_941 = arith.maxsi %add3A_940, %broadcast_in_dim3A_33 : vector<16xi32>
    %gather3A_942 = tpu.vector_load_idx %arg5[%max3A_941] : memref<256xi32, #tpu.memory_space<vmem>>[vector<16xi32>], vector<16xi32>,
    %eq3A_943 = arith.cmpi eq, %gather3A_942, %gather3A_914 : vector<16xi32>
    %select_n3A_944 = arith.select %eq3A_943, %broadcast_in_dim3A_35, %broadcast_in_dim3A_33 : vector<16xi1>, vector<16xi32>
    %add3A_945 = arith.addi %add3A_937, %select_n3A_944 : vector<16xi32>
    %gather3A_946 = tpu.vector_load_idx %arg6[%min3A, %gather3A_914] : memref<4x8192xf32, #tpu.memory_space<vmem>>[vector<16xi32>, vector<16xi32>], vector<16xf32>,
    %convert_element_type3A_947 = arith.sitofp %add3A_945 : vector<16xi32> to vector<16xf32>
    %mul3A_948 = arith.mulf %broadcast_in_dim3A_44, %convert_element_type3A_947 : vector<16xf32>
    %sub3A_949 = arith.subf %gather3A_946, %mul3A_948 : vector<16xf32>
    tpu.vector_store_idx %arg6[%min3A, %gather3A_914], %sub3A_949 masked %and3A_910 : memref<4x8192xf32, #tpu.memory_space<vmem>>[vector<16xi32>, vector<16xi32>], vector<16xf32>, vector<16xi1>
    %add3A_950 = arith.constant 48 : i32
    %add3A_951 = arith.addi %mul3A_2, %add3A_950 : i32
    %dma_start3A_952 = arith.constant 0 : i32
    %dma_start3A_953 = tpu.memref_slice %arg4[%add3A_951, %dma_start3A_952] : memref<2048x8192xf32, #tpu.memory_space<hbm>> -> memref<4x8192xf32, #tpu.memory_space<hbm>>
    %dma_start3A_954 = arith.constant 0 : i32
    %dma_start3A_955 = tpu.memref_slice %arg4[%add3A_951, %dma_start3A_954] : memref<2048x8192xf32, #tpu.memory_space<hbm>> -> memref<4x8192xf32, #tpu.memory_space<hbm>>
    tpu.enqueue_dma source(%arg6 : memref<4x8192xf32, #tpu.memory_space<vmem>>) target(%dma_start3A_955 : memref<4x8192xf32, #tpu.memory_space<hbm>>) target_semaphore(%arg12 : memref<!tpu.dma_semaphore, #tpu.memory_space<semaphore_mem>>)
    %add3A_956 = arith.constant 48 : i32
    %add3A_957 = arith.addi %mul3A_2, %add3A_956 : i32
    %dma_wait3A_958 = arith.constant 0 : i32
    %dma_wait3A_959 = tpu.memref_slice %arg4[%add3A_957, %dma_wait3A_958] : memref<2048x8192xf32, #tpu.memory_space<hbm>> -> memref<4x8192xf32, #tpu.memory_space<hbm>>
    %dma_wait3A_960 = arith.constant 0 : i32
    %dma_wait3A_961 = tpu.memref_slice %arg4[%add3A_957, %dma_wait3A_960] : memref<2048x8192xf32, #tpu.memory_space<hbm>> -> memref<4x8192xf32, #tpu.memory_space<hbm>>
    tpu.wait_dma2 semaphore(%arg12 : memref<!tpu.dma_semaphore, #tpu.memory_space<semaphore_mem>>) src(%arg6 : memref<4x8192xf32, #tpu.memory_space<vmem>>) dst(%dma_wait3A_961 : memref<4x8192xf32, #tpu.memory_space<hbm>>)
    %add3A_962 = arith.constant 60 : i32
    %add3A_963 = arith.addi %mul3A_2, %add3A_962 : i32
    %dma_start3A_964 = arith.constant 0 : i32
    %dma_start3A_965 = tpu.memref_slice %arg2[%add3A_963, %dma_start3A_964] : memref<2048x8192xf32, #tpu.memory_space<hbm>> -> memref<4x8192xf32, #tpu.memory_space<hbm>>
    %dma_start3A_966 = arith.constant 0 : i32
    %dma_start3A_967 = tpu.memref_slice %arg2[%add3A_963, %dma_start3A_966] : memref<2048x8192xf32, #tpu.memory_space<hbm>> -> memref<4x8192xf32, #tpu.memory_space<hbm>>
    tpu.enqueue_dma source(%dma_start3A_967 : memref<4x8192xf32, #tpu.memory_space<hbm>>) target(%arg6 : memref<4x8192xf32, #tpu.memory_space<vmem>>) target_semaphore(%arg9 : memref<!tpu.dma_semaphore, #tpu.memory_space<semaphore_mem>>)
    %add3A_968 = arith.constant 52 : i32
    %add3A_969 = arith.addi %mul3A_2, %add3A_968 : i32
    %dma_wait3A_970 = arith.constant 0 : i32
    %dma_wait3A_971 = tpu.memref_slice %arg2[%add3A_969, %dma_wait3A_970] : memref<2048x8192xf32, #tpu.memory_space<hbm>> -> memref<4x8192xf32, #tpu.memory_space<hbm>>
    %dma_wait3A_972 = arith.constant 0 : i32
    %dma_wait3A_973 = tpu.memref_slice %arg2[%add3A_969, %dma_wait3A_972] : memref<2048x8192xf32, #tpu.memory_space<hbm>> -> memref<4x8192xf32, #tpu.memory_space<hbm>>
    tpu.wait_dma2 semaphore(%arg10 : memref<!tpu.dma_semaphore, #tpu.memory_space<semaphore_mem>>) src(%dma_wait3A_973 : memref<4x8192xf32, #tpu.memory_space<hbm>>) dst(%arg7 : memref<4x8192xf32, #tpu.memory_space<vmem>>)
    %add3A_974 = arith.constant 52 : i32
    %add3A_975 = arith.addi %select_n3A_32, %add3A_974 : i32
    %broadcast_in_dim3A_976 = vector.broadcast %add3A_975 : i32 to vector<16xi32>
    %add3A_977 = arith.addi %broadcast_in_dim3A_976, %min3A : vector<16xi32>
    %ge3A_978 = arith.cmpi sge, %add3A_977, %broadcast_in_dim3A_37 : vector<16xi32>
    %le3A_979 = arith.cmpi sle, %shift_right_logical3A, %broadcast_in_dim3A_46 : vector<16xi32>
    %and3A_980 = arith.andi %ge3A_978, %le3A_979 : vector<16xi1>
    %sub3A_981 = arith.subi %add3A_977, %broadcast_in_dim3A_37 : vector<16xi32>
    %add3A_982 = arith.addi %sub3A_981, %and3A_42 : vector<16xi32>
    %max3A_983 = arith.maxsi %add3A_982, %broadcast_in_dim3A_33 : vector<16xi32>
    %gather3A_984 = tpu.vector_load_idx %arg5[%max3A_983] : memref<256xi32, #tpu.memory_space<vmem>>[vector<16xi32>], vector<16xi32>,
    %broadcast_in_dim3A_985 = arith.constant 0 : i32
    %broadcast_in_dim3A_986 = vector.broadcast %broadcast_in_dim3A_985 : i32 to vector<16xi32>
    %add3A_987 = arith.addi %sub3A_981, %broadcast_in_dim3A_986 : vector<16xi32>
    %max3A_988 = arith.maxsi %add3A_987, %broadcast_in_dim3A_33 : vector<16xi32>
    %gather3A_989 = tpu.vector_load_idx %arg5[%max3A_988] : memref<256xi32, #tpu.memory_space<vmem>>[vector<16xi32>], vector<16xi32>,
    %eq3A_990 = arith.cmpi eq, %gather3A_989, %gather3A_984 : vector<16xi32>
    %select_n3A_991 = arith.select %eq3A_990, %broadcast_in_dim3A_35, %broadcast_in_dim3A_33 : vector<16xi1>, vector<16xi32>
    %broadcast_in_dim3A_992 = arith.constant 1 : i32
    %broadcast_in_dim3A_993 = vector.broadcast %broadcast_in_dim3A_992 : i32 to vector<16xi32>
    %add3A_994 = arith.addi %sub3A_981, %broadcast_in_dim3A_993 : vector<16xi32>
    %max3A_995 = arith.maxsi %add3A_994, %broadcast_in_dim3A_33 : vector<16xi32>
    %gather3A_996 = tpu.vector_load_idx %arg5[%max3A_995] : memref<256xi32, #tpu.memory_space<vmem>>[vector<16xi32>], vector<16xi32>,
    %eq3A_997 = arith.cmpi eq, %gather3A_996, %gather3A_984 : vector<16xi32>
    %select_n3A_998 = arith.select %eq3A_997, %broadcast_in_dim3A_35, %broadcast_in_dim3A_33 : vector<16xi1>, vector<16xi32>
    %add3A_999 = arith.addi %select_n3A_991, %select_n3A_998 : vector<16xi32>
    %broadcast_in_dim3A_1000 = arith.constant 2 : i32
    %broadcast_in_dim3A_1001 = vector.broadcast %broadcast_in_dim3A_1000 : i32 to vector<16xi32>
    %add3A_1002 = arith.addi %sub3A_981, %broadcast_in_dim3A_1001 : vector<16xi32>
    %max3A_1003 = arith.maxsi %add3A_1002, %broadcast_in_dim3A_33 : vector<16xi32>
    %gather3A_1004 = tpu.vector_load_idx %arg5[%max3A_1003] : memref<256xi32, #tpu.memory_space<vmem>>[vector<16xi32>], vector<16xi32>,
    %eq3A_1005 = arith.cmpi eq, %gather3A_1004, %gather3A_984 : vector<16xi32>
    %select_n3A_1006 = arith.select %eq3A_1005, %broadcast_in_dim3A_35, %broadcast_in_dim3A_33 : vector<16xi1>, vector<16xi32>
    %add3A_1007 = arith.addi %add3A_999, %select_n3A_1006 : vector<16xi32>
    %broadcast_in_dim3A_1008 = arith.constant 3 : i32
    %broadcast_in_dim3A_1009 = vector.broadcast %broadcast_in_dim3A_1008 : i32 to vector<16xi32>
    %add3A_1010 = arith.addi %sub3A_981, %broadcast_in_dim3A_1009 : vector<16xi32>
    %max3A_1011 = arith.maxsi %add3A_1010, %broadcast_in_dim3A_33 : vector<16xi32>
    %gather3A_1012 = tpu.vector_load_idx %arg5[%max3A_1011] : memref<256xi32, #tpu.memory_space<vmem>>[vector<16xi32>], vector<16xi32>,
    %eq3A_1013 = arith.cmpi eq, %gather3A_1012, %gather3A_984 : vector<16xi32>
    %select_n3A_1014 = arith.select %eq3A_1013, %broadcast_in_dim3A_35, %broadcast_in_dim3A_33 : vector<16xi1>, vector<16xi32>
    %add3A_1015 = arith.addi %add3A_1007, %select_n3A_1014 : vector<16xi32>
    %gather3A_1016 = tpu.vector_load_idx %arg7[%min3A, %gather3A_984] : memref<4x8192xf32, #tpu.memory_space<vmem>>[vector<16xi32>, vector<16xi32>], vector<16xf32>,
    %convert_element_type3A_1017 = arith.sitofp %add3A_1015 : vector<16xi32> to vector<16xf32>
    %mul3A_1018 = arith.mulf %broadcast_in_dim3A_44, %convert_element_type3A_1017 : vector<16xf32>
    %sub3A_1019 = arith.subf %gather3A_1016, %mul3A_1018 : vector<16xf32>
    tpu.vector_store_idx %arg7[%min3A, %gather3A_984], %sub3A_1019 masked %and3A_980 : memref<4x8192xf32, #tpu.memory_space<vmem>>[vector<16xi32>, vector<16xi32>], vector<16xf32>, vector<16xi1>
    %add3A_1020 = arith.constant 52 : i32
    %add3A_1021 = arith.addi %mul3A_2, %add3A_1020 : i32
    %dma_start3A_1022 = arith.constant 0 : i32
    %dma_start3A_1023 = tpu.memref_slice %arg4[%add3A_1021, %dma_start3A_1022] : memref<2048x8192xf32, #tpu.memory_space<hbm>> -> memref<4x8192xf32, #tpu.memory_space<hbm>>
    %dma_start3A_1024 = arith.constant 0 : i32
    %dma_start3A_1025 = tpu.memref_slice %arg4[%add3A_1021, %dma_start3A_1024] : memref<2048x8192xf32, #tpu.memory_space<hbm>> -> memref<4x8192xf32, #tpu.memory_space<hbm>>
    tpu.enqueue_dma source(%arg7 : memref<4x8192xf32, #tpu.memory_space<vmem>>) target(%dma_start3A_1025 : memref<4x8192xf32, #tpu.memory_space<hbm>>) target_semaphore(%arg13 : memref<!tpu.dma_semaphore, #tpu.memory_space<semaphore_mem>>)
    %add3A_1026 = arith.constant 56 : i32
    %add3A_1027 = arith.addi %mul3A_2, %add3A_1026 : i32
    %dma_wait3A_1028 = arith.constant 0 : i32
    %dma_wait3A_1029 = tpu.memref_slice %arg2[%add3A_1027, %dma_wait3A_1028] : memref<2048x8192xf32, #tpu.memory_space<hbm>> -> memref<4x8192xf32, #tpu.memory_space<hbm>>
    %dma_wait3A_1030 = arith.constant 0 : i32
    %dma_wait3A_1031 = tpu.memref_slice %arg2[%add3A_1027, %dma_wait3A_1030] : memref<2048x8192xf32, #tpu.memory_space<hbm>> -> memref<4x8192xf32, #tpu.memory_space<hbm>>
    tpu.wait_dma2 semaphore(%arg11 : memref<!tpu.dma_semaphore, #tpu.memory_space<semaphore_mem>>) src(%dma_wait3A_1031 : memref<4x8192xf32, #tpu.memory_space<hbm>>) dst(%arg8 : memref<4x8192xf32, #tpu.memory_space<vmem>>)
    %add3A_1032 = arith.constant 56 : i32
    %add3A_1033 = arith.addi %select_n3A_32, %add3A_1032 : i32
    %broadcast_in_dim3A_1034 = vector.broadcast %add3A_1033 : i32 to vector<16xi32>
    %add3A_1035 = arith.addi %broadcast_in_dim3A_1034, %min3A : vector<16xi32>
    %ge3A_1036 = arith.cmpi sge, %add3A_1035, %broadcast_in_dim3A_37 : vector<16xi32>
    %le3A_1037 = arith.cmpi sle, %shift_right_logical3A, %broadcast_in_dim3A_46 : vector<16xi32>
    %and3A_1038 = arith.andi %ge3A_1036, %le3A_1037 : vector<16xi1>
    %sub3A_1039 = arith.subi %add3A_1035, %broadcast_in_dim3A_37 : vector<16xi32>
    %add3A_1040 = arith.addi %sub3A_1039, %and3A_42 : vector<16xi32>
    %max3A_1041 = arith.maxsi %add3A_1040, %broadcast_in_dim3A_33 : vector<16xi32>
    %gather3A_1042 = tpu.vector_load_idx %arg5[%max3A_1041] : memref<256xi32, #tpu.memory_space<vmem>>[vector<16xi32>], vector<16xi32>,
    %broadcast_in_dim3A_1043 = arith.constant 0 : i32
    %broadcast_in_dim3A_1044 = vector.broadcast %broadcast_in_dim3A_1043 : i32 to vector<16xi32>
    %add3A_1045 = arith.addi %sub3A_1039, %broadcast_in_dim3A_1044 : vector<16xi32>
    %max3A_1046 = arith.maxsi %add3A_1045, %broadcast_in_dim3A_33 : vector<16xi32>
    %gather3A_1047 = tpu.vector_load_idx %arg5[%max3A_1046] : memref<256xi32, #tpu.memory_space<vmem>>[vector<16xi32>], vector<16xi32>,
    %eq3A_1048 = arith.cmpi eq, %gather3A_1047, %gather3A_1042 : vector<16xi32>
    %select_n3A_1049 = arith.select %eq3A_1048, %broadcast_in_dim3A_35, %broadcast_in_dim3A_33 : vector<16xi1>, vector<16xi32>
    %broadcast_in_dim3A_1050 = arith.constant 1 : i32
    %broadcast_in_dim3A_1051 = vector.broadcast %broadcast_in_dim3A_1050 : i32 to vector<16xi32>
    %add3A_1052 = arith.addi %sub3A_1039, %broadcast_in_dim3A_1051 : vector<16xi32>
    %max3A_1053 = arith.maxsi %add3A_1052, %broadcast_in_dim3A_33 : vector<16xi32>
    %gather3A_1054 = tpu.vector_load_idx %arg5[%max3A_1053] : memref<256xi32, #tpu.memory_space<vmem>>[vector<16xi32>], vector<16xi32>,
    %eq3A_1055 = arith.cmpi eq, %gather3A_1054, %gather3A_1042 : vector<16xi32>
    %select_n3A_1056 = arith.select %eq3A_1055, %broadcast_in_dim3A_35, %broadcast_in_dim3A_33 : vector<16xi1>, vector<16xi32>
    %add3A_1057 = arith.addi %select_n3A_1049, %select_n3A_1056 : vector<16xi32>
    %broadcast_in_dim3A_1058 = arith.constant 2 : i32
    %broadcast_in_dim3A_1059 = vector.broadcast %broadcast_in_dim3A_1058 : i32 to vector<16xi32>
    %add3A_1060 = arith.addi %sub3A_1039, %broadcast_in_dim3A_1059 : vector<16xi32>
    %max3A_1061 = arith.maxsi %add3A_1060, %broadcast_in_dim3A_33 : vector<16xi32>
    %gather3A_1062 = tpu.vector_load_idx %arg5[%max3A_1061] : memref<256xi32, #tpu.memory_space<vmem>>[vector<16xi32>], vector<16xi32>,
    %eq3A_1063 = arith.cmpi eq, %gather3A_1062, %gather3A_1042 : vector<16xi32>
    %select_n3A_1064 = arith.select %eq3A_1063, %broadcast_in_dim3A_35, %broadcast_in_dim3A_33 : vector<16xi1>, vector<16xi32>
    %add3A_1065 = arith.addi %add3A_1057, %select_n3A_1064 : vector<16xi32>
    %broadcast_in_dim3A_1066 = arith.constant 3 : i32
    %broadcast_in_dim3A_1067 = vector.broadcast %broadcast_in_dim3A_1066 : i32 to vector<16xi32>
    %add3A_1068 = arith.addi %sub3A_1039, %broadcast_in_dim3A_1067 : vector<16xi32>
    %max3A_1069 = arith.maxsi %add3A_1068, %broadcast_in_dim3A_33 : vector<16xi32>
    %gather3A_1070 = tpu.vector_load_idx %arg5[%max3A_1069] : memref<256xi32, #tpu.memory_space<vmem>>[vector<16xi32>], vector<16xi32>,
    %eq3A_1071 = arith.cmpi eq, %gather3A_1070, %gather3A_1042 : vector<16xi32>
    %select_n3A_1072 = arith.select %eq3A_1071, %broadcast_in_dim3A_35, %broadcast_in_dim3A_33 : vector<16xi1>, vector<16xi32>
    %add3A_1073 = arith.addi %add3A_1065, %select_n3A_1072 : vector<16xi32>
    %gather3A_1074 = tpu.vector_load_idx %arg8[%min3A, %gather3A_1042] : memref<4x8192xf32, #tpu.memory_space<vmem>>[vector<16xi32>, vector<16xi32>], vector<16xf32>,
    %convert_element_type3A_1075 = arith.sitofp %add3A_1073 : vector<16xi32> to vector<16xf32>
    %mul3A_1076 = arith.mulf %broadcast_in_dim3A_44, %convert_element_type3A_1075 : vector<16xf32>
    %sub3A_1077 = arith.subf %gather3A_1074, %mul3A_1076 : vector<16xf32>
    tpu.vector_store_idx %arg8[%min3A, %gather3A_1042], %sub3A_1077 masked %and3A_1038 : memref<4x8192xf32, #tpu.memory_space<vmem>>[vector<16xi32>, vector<16xi32>], vector<16xf32>, vector<16xi1>
    %add3A_1078 = arith.constant 56 : i32
    %add3A_1079 = arith.addi %mul3A_2, %add3A_1078 : i32
    %dma_start3A_1080 = arith.constant 0 : i32
    %dma_start3A_1081 = tpu.memref_slice %arg4[%add3A_1079, %dma_start3A_1080] : memref<2048x8192xf32, #tpu.memory_space<hbm>> -> memref<4x8192xf32, #tpu.memory_space<hbm>>
    %dma_start3A_1082 = arith.constant 0 : i32
    %dma_start3A_1083 = tpu.memref_slice %arg4[%add3A_1079, %dma_start3A_1082] : memref<2048x8192xf32, #tpu.memory_space<hbm>> -> memref<4x8192xf32, #tpu.memory_space<hbm>>
    tpu.enqueue_dma source(%arg8 : memref<4x8192xf32, #tpu.memory_space<vmem>>) target(%dma_start3A_1083 : memref<4x8192xf32, #tpu.memory_space<hbm>>) target_semaphore(%arg14 : memref<!tpu.dma_semaphore, #tpu.memory_space<semaphore_mem>>)
    %add3A_1084 = arith.constant 60 : i32
    %add3A_1085 = arith.addi %mul3A_2, %add3A_1084 : i32
    %dma_wait3A_1086 = arith.constant 0 : i32
    %dma_wait3A_1087 = tpu.memref_slice %arg2[%add3A_1085, %dma_wait3A_1086] : memref<2048x8192xf32, #tpu.memory_space<hbm>> -> memref<4x8192xf32, #tpu.memory_space<hbm>>
    %dma_wait3A_1088 = arith.constant 0 : i32
    %dma_wait3A_1089 = tpu.memref_slice %arg2[%add3A_1085, %dma_wait3A_1088] : memref<2048x8192xf32, #tpu.memory_space<hbm>> -> memref<4x8192xf32, #tpu.memory_space<hbm>>
    tpu.wait_dma2 semaphore(%arg9 : memref<!tpu.dma_semaphore, #tpu.memory_space<semaphore_mem>>) src(%dma_wait3A_1089 : memref<4x8192xf32, #tpu.memory_space<hbm>>) dst(%arg6 : memref<4x8192xf32, #tpu.memory_space<vmem>>)
    %add3A_1090 = arith.constant 60 : i32
    %add3A_1091 = arith.addi %select_n3A_32, %add3A_1090 : i32
    %broadcast_in_dim3A_1092 = vector.broadcast %add3A_1091 : i32 to vector<16xi32>
    %add3A_1093 = arith.addi %broadcast_in_dim3A_1092, %min3A : vector<16xi32>
    %ge3A_1094 = arith.cmpi sge, %add3A_1093, %broadcast_in_dim3A_37 : vector<16xi32>
    %le3A_1095 = arith.cmpi sle, %shift_right_logical3A, %broadcast_in_dim3A_46 : vector<16xi32>
    %and3A_1096 = arith.andi %ge3A_1094, %le3A_1095 : vector<16xi1>
    %sub3A_1097 = arith.subi %add3A_1093, %broadcast_in_dim3A_37 : vector<16xi32>
    %add3A_1098 = arith.addi %sub3A_1097, %and3A_42 : vector<16xi32>
    %max3A_1099 = arith.maxsi %add3A_1098, %broadcast_in_dim3A_33 : vector<16xi32>
    %gather3A_1100 = tpu.vector_load_idx %arg5[%max3A_1099] : memref<256xi32, #tpu.memory_space<vmem>>[vector<16xi32>], vector<16xi32>,
    %broadcast_in_dim3A_1101 = arith.constant 0 : i32
    %broadcast_in_dim3A_1102 = vector.broadcast %broadcast_in_dim3A_1101 : i32 to vector<16xi32>
    %add3A_1103 = arith.addi %sub3A_1097, %broadcast_in_dim3A_1102 : vector<16xi32>
    %max3A_1104 = arith.maxsi %add3A_1103, %broadcast_in_dim3A_33 : vector<16xi32>
    %gather3A_1105 = tpu.vector_load_idx %arg5[%max3A_1104] : memref<256xi32, #tpu.memory_space<vmem>>[vector<16xi32>], vector<16xi32>,
    %eq3A_1106 = arith.cmpi eq, %gather3A_1105, %gather3A_1100 : vector<16xi32>
    %select_n3A_1107 = arith.select %eq3A_1106, %broadcast_in_dim3A_35, %broadcast_in_dim3A_33 : vector<16xi1>, vector<16xi32>
    %broadcast_in_dim3A_1108 = arith.constant 1 : i32
    %broadcast_in_dim3A_1109 = vector.broadcast %broadcast_in_dim3A_1108 : i32 to vector<16xi32>
    %add3A_1110 = arith.addi %sub3A_1097, %broadcast_in_dim3A_1109 : vector<16xi32>
    %max3A_1111 = arith.maxsi %add3A_1110, %broadcast_in_dim3A_33 : vector<16xi32>
    %gather3A_1112 = tpu.vector_load_idx %arg5[%max3A_1111] : memref<256xi32, #tpu.memory_space<vmem>>[vector<16xi32>], vector<16xi32>,
    %eq3A_1113 = arith.cmpi eq, %gather3A_1112, %gather3A_1100 : vector<16xi32>
    %select_n3A_1114 = arith.select %eq3A_1113, %broadcast_in_dim3A_35, %broadcast_in_dim3A_33 : vector<16xi1>, vector<16xi32>
    %add3A_1115 = arith.addi %select_n3A_1107, %select_n3A_1114 : vector<16xi32>
    %broadcast_in_dim3A_1116 = arith.constant 2 : i32
    %broadcast_in_dim3A_1117 = vector.broadcast %broadcast_in_dim3A_1116 : i32 to vector<16xi32>
    %add3A_1118 = arith.addi %sub3A_1097, %broadcast_in_dim3A_1117 : vector<16xi32>
    %max3A_1119 = arith.maxsi %add3A_1118, %broadcast_in_dim3A_33 : vector<16xi32>
    %gather3A_1120 = tpu.vector_load_idx %arg5[%max3A_1119] : memref<256xi32, #tpu.memory_space<vmem>>[vector<16xi32>], vector<16xi32>,
    %eq3A_1121 = arith.cmpi eq, %gather3A_1120, %gather3A_1100 : vector<16xi32>
    %select_n3A_1122 = arith.select %eq3A_1121, %broadcast_in_dim3A_35, %broadcast_in_dim3A_33 : vector<16xi1>, vector<16xi32>
    %add3A_1123 = arith.addi %add3A_1115, %select_n3A_1122 : vector<16xi32>
    %broadcast_in_dim3A_1124 = arith.constant 3 : i32
    %broadcast_in_dim3A_1125 = vector.broadcast %broadcast_in_dim3A_1124 : i32 to vector<16xi32>
    %add3A_1126 = arith.addi %sub3A_1097, %broadcast_in_dim3A_1125 : vector<16xi32>
    %max3A_1127 = arith.maxsi %add3A_1126, %broadcast_in_dim3A_33 : vector<16xi32>
    %gather3A_1128 = tpu.vector_load_idx %arg5[%max3A_1127] : memref<256xi32, #tpu.memory_space<vmem>>[vector<16xi32>], vector<16xi32>,
    %eq3A_1129 = arith.cmpi eq, %gather3A_1128, %gather3A_1100 : vector<16xi32>
    %select_n3A_1130 = arith.select %eq3A_1129, %broadcast_in_dim3A_35, %broadcast_in_dim3A_33 : vector<16xi1>, vector<16xi32>
    %add3A_1131 = arith.addi %add3A_1123, %select_n3A_1130 : vector<16xi32>
    %gather3A_1132 = tpu.vector_load_idx %arg6[%min3A, %gather3A_1100] : memref<4x8192xf32, #tpu.memory_space<vmem>>[vector<16xi32>, vector<16xi32>], vector<16xf32>,
    %convert_element_type3A_1133 = arith.sitofp %add3A_1131 : vector<16xi32> to vector<16xf32>
    %mul3A_1134 = arith.mulf %broadcast_in_dim3A_44, %convert_element_type3A_1133 : vector<16xf32>
    %sub3A_1135 = arith.subf %gather3A_1132, %mul3A_1134 : vector<16xf32>
    tpu.vector_store_idx %arg6[%min3A, %gather3A_1100], %sub3A_1135 masked %and3A_1096 : memref<4x8192xf32, #tpu.memory_space<vmem>>[vector<16xi32>, vector<16xi32>], vector<16xf32>, vector<16xi1>
    %add3A_1136 = arith.constant 60 : i32
    %add3A_1137 = arith.addi %mul3A_2, %add3A_1136 : i32
    %dma_start3A_1138 = arith.constant 0 : i32
    %dma_start3A_1139 = tpu.memref_slice %arg4[%add3A_1137, %dma_start3A_1138] : memref<2048x8192xf32, #tpu.memory_space<hbm>> -> memref<4x8192xf32, #tpu.memory_space<hbm>>
    %dma_start3A_1140 = arith.constant 0 : i32
    %dma_start3A_1141 = tpu.memref_slice %arg4[%add3A_1137, %dma_start3A_1140] : memref<2048x8192xf32, #tpu.memory_space<hbm>> -> memref<4x8192xf32, #tpu.memory_space<hbm>>
    tpu.enqueue_dma source(%arg6 : memref<4x8192xf32, #tpu.memory_space<vmem>>) target(%dma_start3A_1141 : memref<4x8192xf32, #tpu.memory_space<hbm>>) target_semaphore(%arg12 : memref<!tpu.dma_semaphore, #tpu.memory_space<semaphore_mem>>)
    %add3A_1142 = arith.constant 52 : i32
    %add3A_1143 = arith.addi %mul3A_2, %add3A_1142 : i32
    %dma_wait3A_1144 = arith.constant 0 : i32
    %dma_wait3A_1145 = tpu.memref_slice %arg4[%add3A_1143, %dma_wait3A_1144] : memref<2048x8192xf32, #tpu.memory_space<hbm>> -> memref<4x8192xf32, #tpu.memory_space<hbm>>
    %dma_wait3A_1146 = arith.constant 0 : i32
    %dma_wait3A_1147 = tpu.memref_slice %arg4[%add3A_1143, %dma_wait3A_1146] : memref<2048x8192xf32, #tpu.memory_space<hbm>> -> memref<4x8192xf32, #tpu.memory_space<hbm>>
    tpu.wait_dma2 semaphore(%arg13 : memref<!tpu.dma_semaphore, #tpu.memory_space<semaphore_mem>>) src(%arg7 : memref<4x8192xf32, #tpu.memory_space<vmem>>) dst(%dma_wait3A_1147 : memref<4x8192xf32, #tpu.memory_space<hbm>>)
    %add3A_1148 = arith.constant 56 : i32
    %add3A_1149 = arith.addi %mul3A_2, %add3A_1148 : i32
    %dma_wait3A_1150 = arith.constant 0 : i32
    %dma_wait3A_1151 = tpu.memref_slice %arg4[%add3A_1149, %dma_wait3A_1150] : memref<2048x8192xf32, #tpu.memory_space<hbm>> -> memref<4x8192xf32, #tpu.memory_space<hbm>>
    %dma_wait3A_1152 = arith.constant 0 : i32
    %dma_wait3A_1153 = tpu.memref_slice %arg4[%add3A_1149, %dma_wait3A_1152] : memref<2048x8192xf32, #tpu.memory_space<hbm>> -> memref<4x8192xf32, #tpu.memory_space<hbm>>
    tpu.wait_dma2 semaphore(%arg14 : memref<!tpu.dma_semaphore, #tpu.memory_space<semaphore_mem>>) src(%arg8 : memref<4x8192xf32, #tpu.memory_space<vmem>>) dst(%dma_wait3A_1153 : memref<4x8192xf32, #tpu.memory_space<hbm>>)
    %add3A_1154 = arith.constant 60 : i32
    %add3A_1155 = arith.addi %mul3A_2, %add3A_1154 : i32
    %dma_wait3A_1156 = arith.constant 0 : i32
    %dma_wait3A_1157 = tpu.memref_slice %arg4[%add3A_1155, %dma_wait3A_1156] : memref<2048x8192xf32, #tpu.memory_space<hbm>> -> memref<4x8192xf32, #tpu.memory_space<hbm>>
    %dma_wait3A_1158 = arith.constant 0 : i32
    %dma_wait3A_1159 = tpu.memref_slice %arg4[%add3A_1155, %dma_wait3A_1158] : memref<2048x8192xf32, #tpu.memory_space<hbm>> -> memref<4x8192xf32, #tpu.memory_space<hbm>>
    tpu.wait_dma2 semaphore(%arg12 : memref<!tpu.dma_semaphore, #tpu.memory_space<semaphore_mem>>) src(%arg6 : memref<4x8192xf32, #tpu.memory_space<vmem>>) dst(%dma_wait3A_1159 : memref<4x8192xf32, #tpu.memory_space<hbm>>)
    return
  }
}

</mosaic_0001>

<sc_bundles>
// kernel: _coverage_sc.3.cloned.1.call-start
scs
__scs_entry_jumppad:
0x0: {  	(pc) =	sbr.rel $0x88, $3  }
0x1: {  	(tag) =	ssettag $0x0;
	lr =	simm.s32 $0x1  }
0x2: {  	[smem:$0x3F9F] =	sst lr;
	_ =	strace $0xD0000000  }
0x3: {  	_ = 	snop  }
0x4: {  	_ = 	snop  }
0x5: {  	_ = 	snop  }
0x6: {  	_ = 	snop  }
0x7: {  	_ = 	snop  }
__scs_overlays_trampoline_lowered:
0x8: {  	[smem:$0x3FAE] =	sst s0  }
0x9: {  	[smem:$0x3FAF] =	sst s1  }
0xa: {  	[smem:$0x3FB0] =	sst s2  }
0xb: {  	[smem:$0x3FB1] =	sst s3  }
0xc: {  	[smem:$0x3FB2] =	sst s4  }
0xd: {  	[smem:$0x3FB3] =	sst s5  }
0xe: {  	[smem:$0x3FB4] =	sst s6  }
0xf: {  	[smem:$0x3FB5] =	sst s7  }
0x10: {  	[smem:$0x3FB6] =	sst s8  }
0x11: {  	[smem:$0x3FB7] =	sst s9;
	s0 =	simm.s32 @!p0 $0x0  }
0x12: {  	s1 =	sld [smem:$0x3F9D];
	s0 =	simm.s32 @p0 $0x1  }
0x13: {  	[smem:$0x3FB8] =	sst s0;
	s0 =	simm.s32 @!p1 $0x0  }
0x14: {  	s2 =	sld [smem:$0x3F9C];
	s0 =	simm.s32 @p1 $0x1  }
0x15: {  	[smem:$0x3FB9] =	sst s0;
	s0 =	simm.s32 @!p2 $0x0  }
0x16: {  	s3 =	sld [smem:$0x3FDB];
	s0 =	simm.s32 @p2 $0x1  }
0x17: {  	s4 =	simm.s32 $0x1BF5;
	[smem:$0x3FBB] =	sst s0  }
0x18: {  	s0 =	sld [smem:$0x3F9E];
	_ =	swait.ge [sflag:s4], $0x0  }
0x19: {  	s7 =	sld [smem:$0x3F9F]  }
0x1a: {  	s8 =	sadd.s32 $0xFFFFE003, lr  }
0x1b: {  	s9 =	sadd.s32 $0xFFFFFEF7, lr;
	s5 =	simm.s32 $0xFFFFFFFF;
	p2 =	slt.u32 s8, $0xFFFFF086  }
0x1c: {  	p1 =	slt.u32 s9, $0xF7A;
	s5 =	simm.s32 @!p2 $0x0  }
0x1d: {  	s5 =	simm.s32 @p1 $0x1;
	p0 =	seq.s32 s7, s2  }
0x1e: {  	s7 =	smul.u32 @!p0 $0xF7A, s2;
	p2 =	seq.s32 @!p0 s5, $0x0  }
0x1f: {  	s9 =	smul.u32 $0xF7A, s1;
	s8 =	simm.s32 @!p0 $0x1BF5;
	p2 =	por !p2, p0  }
0x20: {  	[sflag:s8] =	ssyncset.s32 @!p0 $0xFFFFF086;
	s6 =	sadd.s32 @!p0 s3, s7;
	s7 =	simm.s32 @!p0 $0x108  }
0x21: {  	s3 =	sadd.s32 s3, s9;
	s6 =	sadd.s32 @!p0 $0x88, s6;
	s7 =	simm.s32 @p2 $0x1082  }
0x22: {  	[simem:s7], [sflag:s8] =	dma.local @!p0 [hbm:s6], $0xF7A  }
0x23: {  	s9 =	sor.u32 $0xD0000000, s2;
	s6 =	simm.s32 $0x108;
	_ =	swait.ge @!p0 [sflag:s8], $0x0  }
0x24: {  	s3 =	sadd.s32 $0x88, s3;
	s6 =	simm.s32 @!p1 $0x1082;
	[sflag:s4] =	ssyncset.s32 $0xFFFFF086  }
0x25: {  	[simem:s6], [sflag:s4] =	dma.local [hbm:s3], $0xF7A  }
0x26: {  	[smem:$0x3F9F] =	sst s1;
	(tag) =	ssettag s2;
	_ =	strace s9  }
0x27: {  	s1 =	sld [smem:$0x3FAF]  }
0x28: {  	s2 =	sld [smem:$0x3FB0]  }
0x29: {  	s4 =	sld [smem:$0x3FB2]  }
0x2a: {  	p0 =	seq.s32 s5, $0x0;
	s5 =	sld [smem:$0x3FB3]  }
0x2b: {  	s6 =	sld [smem:$0x3FB4]  }
0x2c: {  	s7 =	sld [smem:$0x3FB5]  }
0x2d: {  	s3 =	simm.s32 $0x108;
	s8 =	sld [smem:$0x3FB6]  }
0x2e: {  	s3 =	simm.s32 @!p0 $0x1082;
	s9 =	sld [smem:$0x3FB7]  }
0x2f: {  	lr =	sadd.s32 s0, s3;
	s0 =	sld [smem:$0x3FAE]  }
0x30: {  	s3 =	sld [smem:$0x3FB1]  }
0x31: {  	[smem:$0x3FBA] =	sst s10  }
0x32: {  	s10 =	sld [smem:$0x3FB8];
	_ =	sdelay $0x3  }
0x33: {  	p0 =	seq.s32 s10, $0x1;
	s10 =	sld [smem:$0x3FBA];
	_ =	sdelay $0x3  }
0x34: {  	[smem:$0x3FBA] =	sst s10  }
0x35: {  	s10 =	sld [smem:$0x3FB9];
	_ =	sdelay $0x3  }
0x36: {  	p1 =	seq.s32 s10, $0x1;
	s10 =	sld [smem:$0x3FBA];
	_ =	sdelay $0x3  }
0x37: {  	[smem:$0x3FBA] =	sst s10  }
0x38: {  	s10 =	sld [smem:$0x3FBB]  }
0x39: {  	_ = 	snop;
	(pc) =	sbr.ind lr, $3  }
0x3a: {  	_ = 	snop  }
0x3b: {  	_ = 	snop  }
0x3c: {  	p2 =	seq.s32 s10, $0x1;
	s10 =	sld [smem:$0x3FBA]  }
0x3d: {  	_ =	shalt  }
0x3e: {  	_ =	shalt  }
0x3f: {  	_ =	shalt  }
0x40: {  	_ =	shalt  }
0x41: {  	_ =	shalt  }
0x42: {  	_ =	shalt  }
0x43: {  	_ =	shalt  }
0x44: {  	_ =	shalt  }
0x45: {  	_ =	shalt  }
0x46: {  	_ =	shalt  }
0x47: {  	_ =	shalt  }
0x48: {  	_ =	shalt  }
0x49: {  	_ =	shalt  }
0x4a: {  	_ =	shalt  }
0x4b: {  	_ =	shalt  }
0x4c: {  	_ =	shalt  }
0x4d: {  	_ =	shalt  }
0x4e: {  	_ =	shalt  }
0x4f: {  	_ =	shalt  }
0x50: {  	_ =	shalt  }
0x51: {  	_ =	shalt  }
0x52: {  	_ =	shalt  }
0x53: {  	_ =	shalt  }
0x54: {  	_ =	shalt  }
0x55: {  	_ =	shalt  }
0x56: {  	_ =	shalt  }
0x57: {  	_ =	shalt  }
0x58: {  	_ =	shalt  }
0x59: {  	_ =	shalt  }
0x5a: {  	_ =	shalt  }
0x5b: {  	_ =	shalt  }
0x5c: {  	_ =	shalt  }
0x5d: {  	_ =	shalt  }
0x5e: {  	_ =	shalt  }
0x5f: {  	_ =	shalt  }
0x60: {  	_ =	shalt  }
0x61: {  	_ =	shalt  }
0x62: {  	_ =	shalt  }
0x63: {  	_ =	shalt  }
0x64: {  	_ =	shalt  }
0x65: {  	_ =	shalt  }
0x66: {  	_ =	shalt  }
0x67: {  	_ =	shalt  }
0x68: {  	_ =	shalt  }
0x69: {  	_ =	shalt  }
0x6a: {  	_ =	shalt  }
0x6b: {  	_ =	shalt  }
0x6c: {  	_ =	shalt  }
0x6d: {  	_ =	shalt  }
0x6e: {  	_ =	shalt  }
0x6f: {  	_ =	shalt  }
0x70: {  	_ =	shalt  }
0x71: {  	_ =	shalt  }
0x72: {  	_ =	shalt  }
0x73: {  	_ =	shalt  }
0x74: {  	_ =	shalt  }
0x75: {  	_ =	shalt  }
0x76: {  	_ =	shalt  }
0x77: {  	_ =	shalt  }
0x78: {  	_ =	shalt  }
0x79: {  	_ =	shalt  }
0x7a: {  	_ =	shalt  }
0x7b: {  	_ =	shalt  }
0x7c: {  	_ =	shalt  }
0x7d: {  	_ =	shalt  }
0x7e: {  	_ =	shalt  }
0x7f: {  	_ =	shalt  }
0x80: {  	_ =	shalt  }
0x81: {  	_ =	shalt  }
0x82: {  	_ =	shalt  }
0x83: {  	_ =	shalt  }
0x84: {  	_ =	shalt  }
0x85: {  	_ =	shalt  }
0x86: {  	_ =	shalt  }
0x87: {  	_ =	shalt  }
.Lfunc_end0:
.L_simem_size_0:
called_computation_lowered:
.L_overlay_start_0:
0x88: {  	s2 =	sld [smem:$0x3FD9]  }
0x89: {  	s3 =	sld [smem:$0x3FFE];
	_ =	sdelay $0x1  }
0x8a: {  	s1 =	srdreg.scid  }
0x8b: {  	s0 =	sand.u32 $0x1, s1  }
0x8c: {  	s18 =	sshll.u32 s0, $0xA;
	s2 =	sadd.s32 s3, s2  }
0x8d: {  	s2 =	sadd.s32 s2, s18  }
0x8e: {  	[smem:$0x3FC6] =	sst s2  }
0x8f: {  	_ = 	snop  }
0x90: {  	s2 =	sld [smem:$0x3FC9]  }
0x91: {  	s19 =	sld [smem:$0x3FC8]  }
0x92: {  	s4 =	sld [smem:$0x3FD0];
	(tm) =	ssettm $0x1  }
0x93: {  	s5 =	sld [smem:$0x3FFB];
	_ =	sdelay $0x3  }
0x94: {  	_ =	strace s5  }
0x95: {  	s5 =	sld [smem:$0x3FFC];
	_ =	sdelay $0x3  }
0x96: {  	_ =	strace s5  }
0x97: {  	s5 =	sld [smem:$0x3FFD];
	_ =	sdelay $0x3  }
0x98: {  	_ =	strace s5  }
0x99: {  	_ =	strace $0x8FFFFFFF  }
0x9a: {  	s20 =	sld [smem:$0x3FDB];
	_ =	sdelay $0x1  }
0x9b: {  	s6 =	simm.s32 $_scs_section_size  }
0x9c: {  	s7 =	simm.s32 $_size__tile_overlayer_lowered;
	s8 =	simm.s32 $_tile_overlayer_lowered  }
0x9d: {  	s23 =	simm.s32 $0x1BFF;
	s22 =	sshll.u32 s8, $0x1;
	s5 =	sadd.s32 s6, s20  }
0x9e: {  	s9 =	simm.s32 $0x0;
	s21 =	sshll.u32 s7, $0x1;
	s7 =	sadd.s32 s22, s5  }
0x9f: {  	[timem:s9], [sflag:s23] =	dma.local [hbm:s7], s21  }
0xa0: {  	_ =	swait.ge [sflag:s23], s21  }
0xa1: {  	s6 =	ssub.s32 $0x0, s21;
	[sflag:s23] =	ssyncset.done $0x0  }
0xa2: {  	[sflag:s23] =	ssyncadd.s32 s6;
	_ =	sdelay $0x1  }
0xa3: {  	s24 =	simm.s32 $0x1B8B  }
0xa4: {  	_ =	swait.ge [sflag:s24], $0x1  }
0xa5: {  	[sflag:s24] =	ssyncset.done $0x0  }
0xa6: {  	s25 =	simm.s32 $0x1B8E;
	[sflag:s24] =	ssyncadd.s32 $0xFFFFFFFF  }
0xa7: {  	s26 =	simm.s32 $execute0_lowered;
	[smem:$0x3FD2] =	sst s25  }
0xa8: {  	s6 =	sshll.u32 s26, $0x1;
	_ =	strace $0x80000046;
	[dreg:$0x1] =	wrdreg $0xFFFFFFFF  }
0xa9: {  	s28 =	simm.s32 $_size_execute0_lowered;
	s5 =	sadd.s32 s5, s6;
	[dreg:$0x0] =	wrdreg $0x0  }
0xaa: {  	s6 =	sshll.u32 s28, $0x1;
	[dreg:$0x2] =	wrdreg s5  }
0xab: {  	[dreg:$0x3] =	wrdreg s6  }
0xac: {  	[dreg:$0x4] =	wrdreg $0xC0  }
0xad: {  	_ =	task [dreg:s9], $0x5FFFF  }
0xae: {  	[dreg:$0x1] =	wrdreg $0xFFFFFFFF  }
0xaf: {  	[dreg:$0x0] =	wrdreg $0x60  }
0xb0: {  	[dreg:$0x2] =	wrdreg s2  }
0xb1: {  	[dreg:$0x3] =	wrdreg s19  }
0xb2: {  	[dreg:$0x4] =	wrdreg s4  }
0xb3: {  	[dreg:$0x5] =	wrdreg $0x9  }
0xb4: {  	_ =	task.clear_ibuf [dreg:s9], $0x6FFFF;
	_ =	strace $0x90000046  }
0xb5: {  	s29 =	simm.s32 $0x9;
	_ =	strace $0x80000048  }
0xb6: {  	_ =	swait.ge [sflag:s29], $0x1  }
0xb7: {  	[sflag:s29] =	ssyncadd.s32 $0xFFFFFFFF  }
0xb8: {  	_ =	strace $0x90000048  }
0xb9: {  	_ =	sfence  }
0xba: {  	s30 =	sld [smem:$0x0];
	_ =	sdelay $0x2  }
0xbb: {  	s31 =	sshll.u32 s1, $0xD;
	s1 =	sshrl.u32 s1, $0x2  }
0xbc: {  	s3 =	sand.u32 $0x4000, s31;
	s1 =	sadd.s32 s1, s30  }
0xbd: {  	s0 =	sor.u32 s3, s0;
	s1 =	sshll.u32 s1, $0x11  }
0xbe: {  	s0 =	sor.u32 s1, s0  }
0xbf: {  	s0 =	sadd.s32 $0x8F2B, s0  }
0xc0: {  	[sflag:s0] =	ssyncadd.remote.s32 $0x1  }
0xc1: {  	_ =	sfence.sel $0xFFFF  }
0xc2: {  	[dreg:$0x0] =	wrdreg $0xFFFFFFFF;
	(pc) =	sbr.abs _section_cstart, $3  }
0xc3: {  	[dreg:$0x1] =	wrdreg $0xFFFFFFFF  }
0xc4: {  	_ =	task.clear_ibuf [dreg:s9], $0x2FFFF;
	_ =	strace $0x9FFFFFFF  }
0xc5: {  	(tm) =	ssettm $0x7FFFFFFF  }
tec
execute0_lowered:
.L_overlay_start_1:
0x0: {  	(tag) =	ssettag $0x1  }
0x1: {  	v0 =	vimm.s32 $0x210F10FE;
	v1 =	vimm.s32 $0xFEDFEDC  }
0x2: {  	v0 =	vunpack.c.l.s4.s8 v0;
	v1 =	vunpack.c.l.s4.s8 v1  }
0x3: {  	s1 =	srdreg.scid  }
0x4: {  	s0 =	stileid.u32;
	s4 =	sand.u32 $0x1, s1;
	v0 =	vunpack.c.0.s8.s32 v0;
	v1 =	vunpack.c.0.s8.s32 v1  }
0x5: {  	s26 =	sshll.u32 s0, $0x7;
	s2 =	sshll.u32 s4, $0x6  }
0x6: {  	v2 =	vlaneseq.u32;
	s13 =	sor.u32 s2, s26;
	v8 =	vcombine.low v1, v0  }
0x7: {  	s1 =	sand.u32 $0xC0, s13;
	v0 =	vshrl.u32 v2, $0x2  }
0x8: {  	v13 =	vor.u32 $0xFFFFFFFC, v0;
	v2 =	vadd.s32 s1, v8  }
0x9: {  	v3 =	vadd.s32 s1, v13;
	vm0 =	vgt.s32 v2, $0x0  }
0xa: {  	v2 =	vnsel vm0, $0x0, v2;
	vm0 =	vgt.s32 v3, $0x0  }
0xb: {  	v17 =	vadd.s32 $0xFFFFFFFD, v0;
	[tilespmem:$0x1FE60] =	vst v2;
	v2 =	vnsel vm0, $0x0, v3  }
0xc: {  	v15 =	vadd.s32 $0xFFFFFFFE, v0;
	[tilespmem:$0x1FE70] =	vst v2;
	v2 =	vadd.s32 s1, v17  }
0xd: {  	v16 =	vadd.s32 $0xFFFFFFFF, v0;
	v3 =	vadd.s32 s1, v15;
	vm0 =	vgt.s32 v2, $0x0  }
0xe: {  	v4 =	vadd.s32 s1, v16;
	vm1 =	vgt.s32 v3, $0x0;
	v2 =	vnsel vm0, $0x0, v2  }
0xf: {  	vm0 =	vgt.s32 v4, $0x0;
	[tilespmem:$0x1FE80] =	vst v2;
	v2 =	vnsel vm1, $0x0, v3  }
0x10: {  	s3 =	sor.u32 $0x4, s1;
	[tilespmem:$0x1FE90] =	vst v2;
	v2 =	vnsel vm0, $0x0, v4  }
0x11: {  	[tilespmem:$0x1FEA0] =	vst v2;
	v2 =	vadd.s32 s3, v8  }
0x12: {  	v3 =	vadd.s32 s3, v17;
	vm0 =	vgt.s32 v2, $0x0  }
0x13: {  	vm1 =	vgt.s32 v3, $0x0;
	v4 =	vadd.s32 s3, v15;
	v2 =	vnsel vm0, $0x0, v2  }
0x14: {  	vm0 =	vgt.s32 v4, $0x0;
	[tilespmem:$0x1FEB0] =	vst v2;
	v2 =	vnsel vm1, $0x0, v3  }
0x15: {  	[tilespmem:$0x1FEC0] =	vst v2;
	v2 =	vnsel vm0, $0x0, v4  }
0x16: {  	s5 =	sor.u32 $0x8, s1;
	[tilespmem:$0x1FED0] =	vst v2;
	v2 =	vadd.s32 s3, v16  }
0x17: {  	v3 =	vadd.s32 s5, v8;
	vm0 =	vgt.s32 v2, $0x0  }
0x18: {  	vm1 =	vgt.s32 v3, $0x0;
	v4 =	vadd.s32 s5, v17;
	v2 =	vnsel vm0, $0x0, v2  }
0x19: {  	vm0 =	vgt.s32 v4, $0x0;
	[tilespmem:$0x1FEE0] =	vst v2;
	v2 =	vnsel vm1, $0x0, v3  }
0x1a: {  	[tilespmem:$0x1FEF0] =	vst v2;
	v2 =	vnsel vm0, $0x0, v4  }
0x1b: {  	[tilespmem:$0x1FF00] =	vst v2;
	v2 =	vadd.s32 s5, v15  }
0x1c: {  	s6 =	sor.u32 $0xC, s1;
	v3 =	vadd.s32 s5, v16;
	vm0 =	vgt.s32 v2, $0x0  }
0x1d: {  	vm1 =	vgt.s32 v3, $0x0;
	v4 =	vadd.s32 s6, v8;
	v2 =	vnsel vm0, $0x0, v2  }
0x1e: {  	vm0 =	vgt.s32 v4, $0x0;
	[tilespmem:$0x1FF10] =	vst v2;
	v2 =	vnsel vm1, $0x0, v3  }
0x1f: {  	[tilespmem:$0x1FF20] =	vst v2;
	v2 =	vnsel vm0, $0x0, v4  }
0x20: {  	[tilespmem:$0x1FF30] =	vst v2;
	v2 =	vadd.s32 s6, v17  }
0x21: {  	v3 =	vadd.s32 s6, v15;
	vm0 =	vgt.s32 v2, $0x0  }
0x22: {  	vm1 =	vgt.s32 v3, $0x0;
	v4 =	vadd.s32 s6, v16;
	v2 =	vnsel vm0, $0x0, v2  }
0x23: {  	vm0 =	vgt.s32 v4, $0x0;
	[tilespmem:$0x1FF40] =	vst v2;
	v2 =	vnsel vm1, $0x0, v3  }
0x24: {  	s7 =	sor.u32 $0x10, s1;
	[tilespmem:$0x1FF50] =	vst v2;
	v2 =	vnsel vm0, $0x0, v4  }
0x25: {  	[tilespmem:$0x1FF60] =	vst v2;
	v2 =	vadd.s32 s7, v8  }
0x26: {  	v3 =	vadd.s32 s7, v17;
	vm0 =	vgt.s32 v2, $0x0  }
0x27: {  	vm1 =	vgt.s32 v3, $0x0;
	v4 =	vadd.s32 s7, v15;
	v2 =	vnsel vm0, $0x0, v2  }
0x28: {  	vm0 =	vgt.s32 v4, $0x0;
	[tilespmem:$0x1FF70] =	vst v2;
	v2 =	vnsel vm1, $0x0, v3  }
0x29: {  	[tilespmem:$0x1FF80] =	vst v2;
	v2 =	vnsel vm0, $0x0, v4  }
0x2a: {  	s8 =	sor.u32 $0x14, s1;
	[tilespmem:$0x1FF90] =	vst v2;
	v2 =	vadd.s32 s7, v16  }
0x2b: {  	v3 =	vadd.s32 s8, v8;
	vm0 =	vgt.s32 v2, $0x0  }
0x2c: {  	vm1 =	vgt.s32 v3, $0x0;
	v4 =	vadd.s32 s8, v17;
	v2 =	vnsel vm0, $0x0, v2  }
0x2d: {  	s14 =	rddreg [dreg:$0x0];
	v1 =	vmov s1;
	vm0 =	vgt.s32 v4, $0x0;
	[tilespmem:$0x1FFA0] =	vst v2;
	v2 =	vnsel vm1, $0x0, v3  }
0x2e: {  	s15 =	rddreg [dreg:$0x1];
	s16 =	sshll.u32 s0, $0x3;
	v59 =	vadd.s32 s3, v13;
	v60 =	vadd.s32 s5, v13;
	[tilespmem:$0x1FFB0] =	vst v2;
	v2 =	vnsel vm0, $0x0, v4  }
0x2f: {  	s17 =	rddreg [dreg:$0x2];
	s16 =	sand.u32 $0x70, s16;
	s2 =	simm.s32 $0x0;
	v61 =	vadd.s32 s6, v13;
	v62 =	vadd.s32 s7, v13;
	[tilespmem:$0x1FFC0] =	vst v2;
	v2 =	vadd.s32 s8, v15  }
0x30: {  	s16 =	sadd.s32 s15, s16;
	[smem:$0x7FF] =	sst s2;
	s9 =	sor.u32 $0x18, s1;
	v63 =	vadd.s32 s8, v13;
	v3 =	vadd.s32 s8, v16;
	vm0 =	vgt.s32 v2, $0x0  }
0x31: {  	s15 =	sshll.u32 s13, $0xA;
	s10 =	sor.u32 $0x1C, s1;
	s12 =	sor.u32 $0x24, s1;
	vm1 =	vgt.s32 v3, $0x0;
	v4 =	vadd.s32 s9, v8;
	v2 =	vnsel vm0, $0x0, v2  }
0x32: {  	s11 =	sor.u32 $0x20, s1;
	s13 =	sadd.s32 s14, s15;
	s19 =	sor.u32 $0x2C, s1;
	v5 =	vadd.s32 s12, v13;
	vm0 =	vgt.s32 v4, $0x0;
	[tilespmem:$0x1FFD0] =	vst v2;
	v2 =	vnsel vm1, $0x0, v3  }
0x33: {  	s0 =	sor.u32 $0x40, s15;
	s20 =	sor.u32 $0x2000, s15;
	s24 =	sadd.s32 s17, s15;
	v9 =	vadd.s32 s19, v13;
	v3 =	vadd.s32 s9, v15;
	[tilespmem:$0x1FFE0] =	vst v2;
	v2 =	vnsel vm0, $0x0, v4  }
0x34: {  	s21 =	sor.u32 $0x2040, s15;
	s22 =	sadd.s32 s14, s0;
	s23 =	sadd.s32 s14, s20;
	vm1 =	vgt.s32 v3, $0x0;
	v4 =	vadd.s32 s9, v16;
	[tilespmem:$0x1FFF0] =	vst v2;
	v2 =	vadd.s32 s9, v17  }
0x35: {  	s25 =	sadd.s32 s14, s21;
	v28 =	vnsel vm1, $0x0, v3;
	v3 =	vadd.s32 s10, v17;
	vm0 =	vgt.s32 v2, $0x0;
	_ =	strace $0x80000047;
	[dreg:$0x5] =	wrdreg s13  }
0x36: {  	vm1 =	vgt.s32 v3, $0x0;
	[dreg:$0x8] =	wrdreg s24;
	s13 =	sadd.s32 s17, s0;
	s0 =	sadd.s32 s17, s20;
	v27 =	vnsel vm0, $0x0, v2;
	vm0 =	vgt.s32 v4, $0x0  }
0x37: {  	s20 =	sor.u32 $0x30, s1;
	s24 =	sadd.s32 s17, s21;
	s21 =	sor.u32 $0x34, s1;
	v2 =	vadd.s32 s10, v8;
	v31 =	vnsel vm1, $0x0, v3;
	v3 =	vadd.s32 s11, v8  }
0x38: {  	[dreg:$0x6] =	wrdreg s22;
	s22 =	sor.u32 $0x4040, s15;
	v10 =	vadd.s32 s20, v13;
	v11 =	vadd.s32 s21, v13;
	v29 =	vnsel vm0, $0x0, v4  }
0x39: {  	[dreg:$0x7] =	wrdreg s23;
	s23 =	sadd.s32 s14, s22;
	s22 =	sadd.s32 s17, s22;
	vm0 =	vgt.s32 v2, $0x0;
	v4 =	vadd.s32 s10, v15;
	vm1 =	vgt.s32 v3, $0x0  }
0x3a: {  	[dreg:$0x12] =	wrdreg s22;
	s22 =	sor.u32 $0x38, s1;
	v30 =	vnsel vm0, $0x0, v2;
	vm0 =	vgt.s32 v4, $0x0;
	v2 =	vadd.s32 s10, v16  }
0x3b: {  	s18 =	sor.u32 $0x28, s1;
	s1 =	sor.u32 $0x3C, s1;
	v34 =	vnsel vm1, $0x0, v3;
	v3 =	vadd.s32 s11, v16;
	v6 =	vadd.s32 s22, v15  }
0x3c: {  	v7 =	vadd.s32 s22, v16;
	v14 =	vadd.s32 s1, v8;
	v12 =	vadd.s32 s22, v13  }
0x3d: {  	v18 =	vadd.s32 s1, v15;
	v19 =	vadd.s32 s1, v16;
	v32 =	vnsel vm0, $0x0, v4  }
0x3e: {  	vm0 =	vgt.s32 v2, $0x0;
	v4 =	vadd.s32 s11, v17;
	vm1 =	vgt.s32 v3, $0x0  }
0x3f: {  	v33 =	vnsel vm0, $0x0, v2;
	vm0 =	vgt.s32 v4, $0x0;
	v2 =	vadd.s32 s11, v15  }
0x40: {  	v37 =	vnsel vm1, $0x0, v3;
	v3 =	vadd.s32 s12, v15;
	v35 =	vnsel vm0, $0x0, v4  }
0x41: {  	vm0 =	vgt.s32 v2, $0x0;
	v4 =	vadd.s32 s12, v8;
	vm1 =	vgt.s32 v3, $0x0  }
0x42: {  	v36 =	vnsel vm0, $0x0, v2;
	vm0 =	vgt.s32 v4, $0x0;
	v2 =	vadd.s32 s12, v17  }
0x43: {  	v40 =	vnsel vm1, $0x0, v3;
	v3 =	vadd.s32 s18, v17;
	v38 =	vnsel vm0, $0x0, v4  }
0x44: {  	vm0 =	vgt.s32 v2, $0x0;
	v4 =	vadd.s32 s12, v16;
	vm1 =	vgt.s32 v3, $0x0  }
0x45: {  	v39 =	vnsel vm0, $0x0, v2;
	vm0 =	vgt.s32 v4, $0x0;
	v2 =	vadd.s32 s18, v8  }
0x46: {  	v43 =	vnsel vm1, $0x0, v3;
	v3 =	vadd.s32 s19, v8;
	v41 =	vnsel vm0, $0x0, v4  }
0x47: {  	vm0 =	vgt.s32 v2, $0x0;
	v4 =	vadd.s32 s18, v15;
	vm1 =	vgt.s32 v3, $0x0  }
0x48: {  	[dreg:$0x4] =	wrdreg s16;
	v42 =	vnsel vm0, $0x0, v2;
	vm0 =	vgt.s32 v4, $0x0;
	v2 =	vadd.s32 s18, v16  }
0x49: {  	[dreg:$0x9] =	wrdreg s25;
	v46 =	vnsel vm1, $0x0, v3;
	v3 =	vadd.s32 s19, v16;
	v44 =	vnsel vm0, $0x0, v4  }
0x4a: {  	s28 =	simm.s32 $0x4;
	s29 =	simm.s32 $0x2;
	[dreg:$0xa] =	wrdreg s13;
	vm0 =	vgt.s32 v2, $0x0;
	v4 =	vadd.s32 s19, v17;
	vm1 =	vgt.s32 v3, $0x0  }
0x4b: {  	s30 =	simm.s32 $0x5;
	s16 =	sor.u32 $0x4000, s15;
	[dreg:$0xc] =	wrdreg s0;
	v45 =	vnsel vm0, $0x0, v2;
	vm0 =	vgt.s32 v4, $0x0;
	v2 =	vadd.s32 s19, v15  }
0x4c: {  	s31 =	simm.s32 $0x3;
	s26 =	sadd.s32 s14, s16;
	[dreg:$0xe] =	wrdreg s24;
	v49 =	vnsel vm1, $0x0, v3;
	v3 =	vadd.s32 s20, v15;
	v47 =	vnsel vm0, $0x0, v4  }
0x4d: {  	s4 =	ssub.s32 $0x2, s4;
	s24 =	sor.u32 $0x8000, s15;
	[dreg:$0xb] =	wrdreg s26;
	vm0 =	vgt.s32 v2, $0x0;
	v4 =	vadd.s32 s20, v8;
	vm1 =	vgt.s32 v3, $0x0  }
0x4e: {  	[dreg:$0xd] =	wrdreg s23;
	s23 =	sor.u32 $0x6000, s15;
	s26 =	sadd.s32 s17, s16;
	v48 =	vnsel vm0, $0x0, v2;
	vm0 =	vgt.s32 v4, $0x0;
	v2 =	vadd.s32 s20, v17  }
0x4f: {  	s16 =	sor.u32 $0x6040, s15;
	s5 =	sadd.s32 s17, s24;
	s25 =	sadd.s32 s14, s23;
	v52 =	vnsel vm1, $0x0, v3;
	v3 =	vadd.s32 s21, v17;
	v50 =	vnsel vm0, $0x0, v4  }
0x50: {  	[dreg:$0x10] =	wrdreg s26;
	s0 =	sadd.s32 s14, s16;
	s26 =	sadd.s32 s17, s23;
	vm0 =	vgt.s32 v2, $0x0;
	v4 =	vadd.s32 s20, v16;
	vm1 =	vgt.s32 v3, $0x0  }
0x51: {  	s23 =	sor.u32 $0x8040, s15;
	s3 =	sadd.s32 s17, s16;
	[dreg:$0xf] =	wrdreg s25;
	v51 =	vnsel vm0, $0x0, v2;
	vm0 =	vgt.s32 v4, $0x0;
	v2 =	vadd.s32 s21, v8  }
0x52: {  	s16 =	sor.u32 $0xA000, s15;
	[dreg:$0x11] =	wrdreg s0;
	s25 =	sadd.s32 s14, s24;
	v55 =	vnsel vm1, $0x0, v3;
	v53 =	vnsel vm0, $0x0, v4;
	vm0 =	vgt.s32 v2, $0x0  }
0x53: {  	[dreg:$0x14] =	wrdreg s26;
	s0 =	sshrl.u32 s4, $0x1;
	s7 =	sadd.s32 s17, s23;
	v3 =	vadd.s32 s10, v13;
	v4 =	vadd.s32 s21, v15;
	v54 =	vnsel vm0, $0x0, v2  }
0x54: {  	s24 =	sor.u32 $0xC040, s15;
	[dreg:$0x13] =	wrdreg s25;
	s25 =	sadd.s32 s14, s23;
	vm1 =	vgt.s32 v4, $0x0;
	v2 =	vadd.s32 s21, v16;
	vm0 =	vne.s32 v1, $0x0  }
0x55: {  	s26 =	ssub.s32 s4, s0;
	s0 =	sor.u32 $0xA040, s15;
	s4 =	sadd.s32 s14, s16;
	v1 =	vadd.s32 s22, v8;
	v8 =	vadd.s32 s18, v13;
	v56 =	vnsel vm1, $0x0, v4  }
0x56: {  	s23 =	simm.s32 $0x100;
	[dreg:$0x15] =	wrdreg s25;
	s25 =	sor.u32 $0xC000, s15;
	vm1 =	vgt.s32 v2, $0x0;
	vm2 =	vgt.s32 v1, $0x0;
	v4 =	vadd.s32 s11, v13  }
0x57: {  	s6 =	sadd.s32 s14, s0;
	s8 =	sadd.s32 s14, s25;
	s13 =	sadd.s32 s17, s25;
	v57 =	vnsel vm1, $0x0, v2;
	v58 =	vnsel vm2, $0x0, v1;
	v1 =	vadd.s32 s22, v17  }
0x58: {  	s25 =	sor.u32 $0xE040, s15;
	s20 =	simm.s32 $0x400;
	s10 =	sadd.s32 s14, s24;
	v2 =	vadd.s32 s9, v13;
	vm2 =	vgt.s32 v7, $0x0;
	vm1 =	vgt.s32 v1, $0x0  }
0x59: {  	s18 =	smax.u32 s26, $0x1;
	s21 =	simm.s32 $0x7;
	s26 =	simm.s32 $0x1;
	v13 =	vadd.s32 s1, v13;
	v1 =	vnsel vm1, $0x0, v1;
	vm1 =	vgt.s32 v6, $0x0  }
0x5a: {  	s11 =	sadd.s32 s17, s0;
	s0 =	sor.u32 $0xE000, s15;
	s15 =	sadd.s32 s17, s24;
	v17 =	vadd.s32 s1, v17;
	v6 =	vnsel vm1, $0x0, v6;
	vm1 =	vgt.s32 v14, $0x0  }
0x5b: {  	s24 =	simm.s32 $0x8100;
	s9 =	sadd.s32 s17, s16;
	s12 =	sadd.s32 s14, s0;
	v7 =	vnsel vm2, $0x0, v7;
	v14 =	vnsel vm1, $0x0, v14;
	vm1 =	vgt.s32 v17, $0x0  }
0x5c: {  	s14 =	sadd.s32 s14, s25;
	s16 =	sadd.s32 s17, s0;
	s17 =	sadd.s32 s17, s25;
	vm2 =	vgt.s32 v19, $0x0;
	v15 =	vnsel vm1, $0x0, v17;
	vm1 =	vgt.s32 v18, $0x0  }
0x5d: {  	s22 =	simm.s32 $0x200;
	s25 =	simm.s32 $0x10100;
	s1 =	simm.s32 $0x6;
	v17 =	vnsel vm2, $0x0, v19;
	v16 =	vnsel vm1, $0x0, v18;
	v18 =	vimm.s32 $0x0  }
.LBB2_1:
0x5e: {  	s0 =	rddreg [dreg:$0x4];
	s19 =	simm.s32 $0x80  }
0x5f: {  	[tilespmem:s2], [sflag:$0x7] =	stream.strided.gather [hbm4b:s0+s19], $0x100, s20, s19, $0x38;
	[tilespmem:$0x18100] =	vst v63  }
0x60: {  	_ =	swait.ge [sflag:s21], $0x100  }
0x61: {  	[sflag:s21] =	ssyncset.done $0x0  }
0x62: {  	s0 =	rddreg [dreg:$0x5];
	[sflag:s21] =	ssyncadd.s32 $0xFFFFFF00  }
0x63: {  	[tilespmem:s23], [sflag:$0x1] =	stream.strided.gather [hbm4b:s0+s22], $0x8000, s20, s22, $0x38;
	[tilespmem:$0x18100] =	vst v63  }
0x64: {  	s19 =	rddreg [dreg:$0x6]  }
0x65: {  	[tilespmem:s24], [sflag:$0x2] =	stream.strided.gather [hbm4b:s19+s22], $0x8000, s20, s22, $0x38;
	[tilespmem:$0x18100] =	vst v63  }
0x66: {  	s0 =	rddreg [dreg:$0x7]  }
0x67: {  	[tilespmem:s25], [sflag:$0x3] =	stream.strided.gather [hbm4b:s0+s22], $0x8000, s20, s22, $0x38;
	[tilespmem:$0x18100] =	vst v63  }
0x68: {  	_ =	swait.ge [sflag:s26], $0x8000  }
0x69: {  	v19 =	vld [tilespmem:$0x1FE60];
	_ =	sdelay $0x5  }
0x6a: {  	[sflag:s26] =	ssyncset.done $0x0  }
0x6b: {  	[sflag:s26] =	ssyncadd.s32 $0xFFFF8000  }
0x6c: {  	v20 =	vld.idx.msk [tilespmem:v19+s2+$0x0], $0xffff  }
0x6d: {  	v19 =	vld [tilespmem:$0x1FE70];
	_ =	sdelay $0x7  }
0x6e: {  	v21 =	vld.idx.msk [tilespmem:v19+s2+$0x0], $0xffff  }
0x6f: {  	v19 =	vld [tilespmem:$0x1FE80];
	_ =	sdelay $0x7  }
0x70: {  	v22 =	vld.idx.msk [tilespmem:v19+s2+$0x0], $0xffff  }
0x71: {  	v19 =	vld [tilespmem:$0x1FE90]  }
0x72: {  	v24 =	vld [tilespmem:$0x1FEA0];
	_ =	sdelay $0x6  }
0x73: {  	v23 =	vld.idx.msk [tilespmem:v19+s2+$0x0], $0xffff;
	v19 =	vshll.u32 v20, $0x2  }
0x74: {  	v24 =	vld.idx.msk [tilespmem:v24+s2+$0x0], $0xffff;
	v25 =	vand.u32 $0x7F, v20;
	v26 =	vand.u32 $0xFFFFFE00, v19;
	v19 =	vmul.u32 $0x80, v0  }
0x75: {  	v25 =	vor.u32 v26, v25  }
0x76: {  	v25 =	vor.u32 v19, v25  }
0x77: {  	vm1 =	veq.s32 v21, v20;
	vm2 =	veq.s32 v22, v20  }
0x78: {  	v21 =	vsel vm1, $0x1, v18;
	v22 =	vsel vm2, $0x1, v18;
	vm1 =	veq.s32 v23, v20  }
0x79: {  	v21 =	vadd.s32 v21, v22;
	v22 =	vsel vm1, $0x1, v18;
	vm1 =	veq.s32 v24, v20  }
0x7a: {  	v20 =	vadd.s32 v22, v21;
	v21 =	vsel vm1, $0x1, v18  }
0x7b: {  	v20 =	vadd.s32 v21, v20;
	v21 =	vld.idx.msk [tilespmem:v25+s23+$0x0], $0xffff  }
0x7c: {  	v20 =	vcvt.s32.f32 v20;
	_ =	sdelay $0x1  }
0x7d: {  	v20 =	vmul.f32 $3.000000120e-01, v20;
	_ =	sdelay $0x1  }
0x7e: {  	v20 =	vsub.f32 v21, v20;
	_ =	sdelay $0x1  }
0x7f: {  	s19 =	rddreg [dreg:$0x8];
	[tilespmem:v25+s23+$0x0] =	vst.idx.msk vm0, v20  }
0x80: {  	[hbm4b:s19+s22] =	stream.strided.scatter [tilespmem:s23], [sflag:$0x4], $0x8000, s20, s22, $0x38;
	[tilespmem:$0x18100] =	vst v63  }
0x81: {  	_ =	swait.ge [sflag:s28], $0x8000  }
0x82: {  	[sflag:s28] =	ssyncset.done $0x0  }
0x83: {  	s19 =	rddreg [dreg:$0x9];
	[sflag:s28] =	ssyncadd.s32 $0xFFFF8000  }
0x84: {  	[tilespmem:s23], [sflag:$0x1] =	stream.strided.gather [hbm4b:s19+s22], $0x8000, s20, s22, $0x38;
	[tilespmem:$0x18100] =	vst v63  }
0x85: {  	_ =	swait.ge [sflag:s29], $0x8000  }
0x86: {  	v20 =	vld [tilespmem:$0x1FEB0];
	_ =	sdelay $0x3  }
0x87: {  	v22 =	vld [tilespmem:$0x1FEC0]  }
0x88: {  	v23 =	vld [tilespmem:$0x1FED0]  }
0x89: {  	[sflag:s29] =	ssyncset.done $0x0;
	v25 =	vld [tilespmem:$0x1FEE0]  }
0x8a: {  	[sflag:s29] =	ssyncadd.s32 $0xFFFF8000  }
0x8b: {  	v20 =	vld.idx.msk [tilespmem:v20+s2+$0x0], $0xffff;
	_ =	sdelay $0x2  }
0x8c: {  	v21 =	vld.idx.msk [tilespmem:v59+s2+$0x0], $0xffff  }
0x8d: {  	v22 =	vld.idx.msk [tilespmem:v22+s2+$0x0], $0xffff  }
0x8e: {  	v23 =	vld.idx.msk [tilespmem:v23+s2+$0x0], $0xffff;
	v24 =	vshll.u32 v20, $0x2  }
0x8f: {  	v25 =	vld.idx.msk [tilespmem:v25+s2+$0x0], $0xffff;
	v26 =	vand.u32 $0x7F, v20;
	v24 =	vand.u32 $0xFFFFFE00, v24  }
0x90: {  	v24 =	vor.u32 v24, v26  }
0x91: {  	v24 =	vor.u32 v19, v24  }
0x92: {  	vm1 =	veq.s32 v21, v20;
	vm2 =	veq.s32 v22, v20  }
0x93: {  	v21 =	vsel vm1, $0x1, v18;
	v22 =	vsel vm2, $0x1, v18;
	vm1 =	veq.s32 v23, v20  }
0x94: {  	v21 =	vadd.s32 v21, v22;
	v22 =	vsel vm1, $0x1, v18;
	vm1 =	veq.s32 v25, v20  }
0x95: {  	v20 =	vadd.s32 v22, v21;
	v21 =	vsel vm1, $0x1, v18  }
0x96: {  	v20 =	vadd.s32 v21, v20;
	v21 =	vld.idx.msk [tilespmem:v24+s24+$0x0], $0xffff  }
0x97: {  	v20 =	vcvt.s32.f32 v20;
	_ =	sdelay $0x1  }
0x98: {  	v20 =	vmul.f32 $3.000000120e-01, v20;
	_ =	sdelay $0x1  }
0x99: {  	v20 =	vsub.f32 v21, v20;
	_ =	sdelay $0x1  }
0x9a: {  	s19 =	rddreg [dreg:$0xa];
	[tilespmem:v24+s24+$0x0] =	vst.idx.msk $0xffff, v20  }
0x9b: {  	[hbm4b:s19+s22] =	stream.strided.scatter [tilespmem:s24], [sflag:$0x5], $0x8000, s20, s22, $0x38;
	[tilespmem:$0x18100] =	vst v63  }
0x9c: {  	_ =	swait.ge [sflag:s30], $0x8000  }
0x9d: {  	[sflag:s30] =	ssyncset.done $0x0  }
0x9e: {  	s19 =	rddreg [dreg:$0xb];
	[sflag:s30] =	ssyncadd.s32 $0xFFFF8000  }
0x9f: {  	[tilespmem:s24], [sflag:$0x2] =	stream.strided.gather [hbm4b:s19+s22], $0x8000, s20, s22, $0x38;
	[tilespmem:$0x18100] =	vst v63  }
0xa0: {  	_ =	swait.ge [sflag:s31], $0x8000  }
0xa1: {  	v20 =	vld [tilespmem:$0x1FEF0];
	_ =	sdelay $0x3  }
0xa2: {  	v22 =	vld [tilespmem:$0x1FF00]  }
0xa3: {  	v23 =	vld [tilespmem:$0x1FF10]  }
0xa4: {  	[sflag:s31] =	ssyncset.done $0x0;
	v25 =	vld [tilespmem:$0x1FF20]  }
0xa5: {  	[sflag:s31] =	ssyncadd.s32 $0xFFFF8000  }
0xa6: {  	v20 =	vld.idx.msk [tilespmem:v20+s2+$0x0], $0xffff;
	_ =	sdelay $0x2  }
0xa7: {  	v21 =	vld.idx.msk [tilespmem:v60+s2+$0x0], $0xffff  }
0xa8: {  	v22 =	vld.idx.msk [tilespmem:v22+s2+$0x0], $0xffff  }
0xa9: {  	v23 =	vld.idx.msk [tilespmem:v23+s2+$0x0], $0xffff;
	v24 =	vshll.u32 v20, $0x2  }
0xaa: {  	v25 =	vld.idx.msk [tilespmem:v25+s2+$0x0], $0xffff;
	v26 =	vand.u32 $0x7F, v20;
	v24 =	vand.u32 $0xFFFFFE00, v24  }
0xab: {  	v24 =	vor.u32 v24, v26  }
0xac: {  	v24 =	vor.u32 v19, v24  }
0xad: {  	vm1 =	veq.s32 v21, v20;
	vm2 =	veq.s32 v22, v20  }
0xae: {  	v21 =	vsel vm1, $0x1, v18;
	v22 =	vsel vm2, $0x1, v18;
	vm1 =	veq.s32 v23, v20  }
0xaf: {  	v21 =	vadd.s32 v21, v22;
	v22 =	vsel vm1, $0x1, v18;
	vm1 =	veq.s32 v25, v20  }
0xb0: {  	v20 =	vadd.s32 v22, v21;
	v21 =	vsel vm1, $0x1, v18  }
0xb1: {  	v20 =	vadd.s32 v21, v20;
	v21 =	vld.idx.msk [tilespmem:v24+s25+$0x0], $0xffff  }
0xb2: {  	v20 =	vcvt.s32.f32 v20;
	_ =	sdelay $0x1  }
0xb3: {  	v20 =	vmul.f32 $3.000000120e-01, v20;
	_ =	sdelay $0x1  }
0xb4: {  	v20 =	vsub.f32 v21, v20;
	_ =	sdelay $0x1  }
0xb5: {  	s19 =	rddreg [dreg:$0xc];
	[tilespmem:v24+s25+$0x0] =	vst.idx.msk $0xffff, v20  }
0xb6: {  	[hbm4b:s19+s22] =	stream.strided.scatter [tilespmem:s25], [sflag:$0x6], $0x8000, s20, s22, $0x38;
	[tilespmem:$0x18100] =	vst v63  }
0xb7: {  	_ =	swait.ge [sflag:s1], $0x8000  }
0xb8: {  	[sflag:s1] =	ssyncset.done $0x0  }
0xb9: {  	s19 =	rddreg [dreg:$0xd];
	[sflag:s1] =	ssyncadd.s32 $0xFFFF8000  }
0xba: {  	[tilespmem:s25], [sflag:$0x3] =	stream.strided.gather [hbm4b:s19+s22], $0x8000, s20, s22, $0x38;
	[tilespmem:$0x18100] =	vst v63  }
0xbb: {  	_ =	swait.ge [sflag:s26], $0x8000  }
0xbc: {  	v20 =	vld [tilespmem:$0x1FF30];
	_ =	sdelay $0x3  }
0xbd: {  	v22 =	vld [tilespmem:$0x1FF40]  }
0xbe: {  	v23 =	vld [tilespmem:$0x1FF50]  }
0xbf: {  	[sflag:s26] =	ssyncset.done $0x0;
	v25 =	vld [tilespmem:$0x1FF60]  }
0xc0: {  	[sflag:s26] =	ssyncadd.s32 $0xFFFF8000  }
0xc1: {  	v20 =	vld.idx.msk [tilespmem:v20+s2+$0x0], $0xffff;
	_ =	sdelay $0x2  }
0xc2: {  	v21 =	vld.idx.msk [tilespmem:v61+s2+$0x0], $0xffff  }
0xc3: {  	v22 =	vld.idx.msk [tilespmem:v22+s2+$0x0], $0xffff  }
0xc4: {  	v23 =	vld.idx.msk [tilespmem:v23+s2+$0x0], $0xffff;
	v24 =	vshll.u32 v20, $0x2  }
0xc5: {  	v25 =	vld.idx.msk [tilespmem:v25+s2+$0x0], $0xffff;
	v26 =	vand.u32 $0x7F, v20;
	v24 =	vand.u32 $0xFFFFFE00, v24  }
0xc6: {  	v24 =	vor.u32 v24, v26  }
0xc7: {  	v24 =	vor.u32 v19, v24  }
0xc8: {  	vm1 =	veq.s32 v21, v20;
	vm2 =	veq.s32 v22, v20  }
0xc9: {  	v21 =	vsel vm1, $0x1, v18;
	v22 =	vsel vm2, $0x1, v18;
	vm1 =	veq.s32 v23, v20  }
0xca: {  	v21 =	vadd.s32 v21, v22;
	v22 =	vsel vm1, $0x1, v18;
	vm1 =	veq.s32 v25, v20  }
0xcb: {  	v20 =	vadd.s32 v22, v21;
	v21 =	vsel vm1, $0x1, v18  }
0xcc: {  	v20 =	vadd.s32 v21, v20;
	v21 =	vld.idx.msk [tilespmem:v24+s23+$0x0], $0xffff  }
0xcd: {  	v20 =	vcvt.s32.f32 v20;
	_ =	sdelay $0x1  }
0xce: {  	v20 =	vmul.f32 $3.000000120e-01, v20;
	_ =	sdelay $0x1  }
0xcf: {  	v20 =	vsub.f32 v21, v20;
	_ =	sdelay $0x1  }
0xd0: {  	s19 =	rddreg [dreg:$0xe];
	[tilespmem:v24+s23+$0x0] =	vst.idx.msk $0xffff, v20  }
0xd1: {  	[hbm4b:s19+s22] =	stream.strided.scatter [tilespmem:s23], [sflag:$0x4], $0x8000, s20, s22, $0x38;
	[tilespmem:$0x18100] =	vst v63  }
0xd2: {  	_ =	swait.ge [sflag:s28], $0x8000  }
0xd3: {  	[sflag:s28] =	ssyncset.done $0x0  }
0xd4: {  	s19 =	rddreg [dreg:$0xf];
	[sflag:s28] =	ssyncadd.s32 $0xFFFF8000  }
0xd5: {  	[tilespmem:s23], [sflag:$0x1] =	stream.strided.gather [hbm4b:s19+s22], $0x8000, s20, s22, $0x38;
	[tilespmem:$0x18100] =	vst v63  }
0xd6: {  	_ =	swait.ge [sflag:s29], $0x8000  }
0xd7: {  	v20 =	vld [tilespmem:$0x1FF70];
	_ =	sdelay $0x3  }
0xd8: {  	v22 =	vld [tilespmem:$0x1FF80]  }
0xd9: {  	v23 =	vld [tilespmem:$0x1FF90]  }
0xda: {  	[sflag:s29] =	ssyncset.done $0x0;
	v25 =	vld [tilespmem:$0x1FFA0]  }
0xdb: {  	[sflag:s29] =	ssyncadd.s32 $0xFFFF8000  }
0xdc: {  	v20 =	vld.idx.msk [tilespmem:v20+s2+$0x0], $0xffff;
	_ =	sdelay $0x2  }
0xdd: {  	v21 =	vld.idx.msk [tilespmem:v62+s2+$0x0], $0xffff  }
0xde: {  	v22 =	vld.idx.msk [tilespmem:v22+s2+$0x0], $0xffff  }
0xdf: {  	v23 =	vld.idx.msk [tilespmem:v23+s2+$0x0], $0xffff;
	v24 =	vshll.u32 v20, $0x2  }
0xe0: {  	v25 =	vld.idx.msk [tilespmem:v25+s2+$0x0], $0xffff;
	v26 =	vand.u32 $0x7F, v20;
	v24 =	vand.u32 $0xFFFFFE00, v24  }
0xe1: {  	v24 =	vor.u32 v24, v26  }
0xe2: {  	v24 =	vor.u32 v19, v24  }
0xe3: {  	vm1 =	veq.s32 v21, v20;
	vm2 =	veq.s32 v22, v20  }
0xe4: {  	v21 =	vsel vm1, $0x1, v18;
	v22 =	vsel vm2, $0x1, v18;
	vm1 =	veq.s32 v23, v20  }
0xe5: {  	v21 =	vadd.s32 v21, v22;
	v22 =	vsel vm1, $0x1, v18;
	vm1 =	veq.s32 v25, v20  }
0xe6: {  	v20 =	vadd.s32 v22, v21;
	v21 =	vsel vm1, $0x1, v18  }
0xe7: {  	v20 =	vadd.s32 v21, v20;
	v21 =	vld.idx.msk [tilespmem:v24+s24+$0x0], $0xffff  }
0xe8: {  	v20 =	vcvt.s32.f32 v20;
	_ =	sdelay $0x1  }
0xe9: {  	v20 =	vmul.f32 $3.000000120e-01, v20;
	_ =	sdelay $0x1  }
0xea: {  	v20 =	vsub.f32 v21, v20;
	_ =	sdelay $0x1  }
0xeb: {  	s19 =	rddreg [dreg:$0x10];
	[tilespmem:v24+s24+$0x0] =	vst.idx.msk $0xffff, v20  }
0xec: {  	[hbm4b:s19+s22] =	stream.strided.scatter [tilespmem:s24], [sflag:$0x5], $0x8000, s20, s22, $0x38;
	[tilespmem:$0x18100] =	vst v63  }
0xed: {  	_ =	swait.ge [sflag:s30], $0x8000  }
0xee: {  	[sflag:s30] =	ssyncset.done $0x0  }
0xef: {  	s19 =	rddreg [dreg:$0x11];
	[sflag:s30] =	ssyncadd.s32 $0xFFFF8000  }
0xf0: {  	[tilespmem:s24], [sflag:$0x2] =	stream.strided.gather [hbm4b:s19+s22], $0x8000, s20, s22, $0x38;
	[tilespmem:$0x18100] =	vst v63  }
0xf1: {  	_ =	swait.ge [sflag:s31], $0x8000  }
0xf2: {  	v20 =	vld [tilespmem:$0x1FFB0];
	_ =	sdelay $0x3  }
0xf3: {  	v22 =	vld [tilespmem:$0x1FFC0]  }
0xf4: {  	v23 =	vld [tilespmem:$0x1FFD0]  }
0xf5: {  	[sflag:s31] =	ssyncset.done $0x0;
	v25 =	vld [tilespmem:$0x1FFE0]  }
0xf6: {  	[sflag:s31] =	ssyncadd.s32 $0xFFFF8000  }
0xf7: {  	v20 =	vld.idx.msk [tilespmem:v20+s2+$0x0], $0xffff;
	_ =	sdelay $0x2  }
0xf8: {  	v21 =	vld.idx.msk [tilespmem:v63+s2+$0x0], $0xffff  }
0xf9: {  	v22 =	vld.idx.msk [tilespmem:v22+s2+$0x0], $0xffff  }
0xfa: {  	v23 =	vld.idx.msk [tilespmem:v23+s2+$0x0], $0xffff;
	v24 =	vshll.u32 v20, $0x2  }
0xfb: {  	v25 =	vld.idx.msk [tilespmem:v25+s2+$0x0], $0xffff;
	v26 =	vand.u32 $0x7F, v20;
	v24 =	vand.u32 $0xFFFFFE00, v24  }
0xfc: {  	v24 =	vor.u32 v24, v26  }
0xfd: {  	v24 =	vor.u32 v19, v24  }
0xfe: {  	vm1 =	veq.s32 v21, v20;
	vm2 =	veq.s32 v22, v20  }
0xff: {  	v21 =	vsel vm1, $0x1, v18;
	v22 =	vsel vm2, $0x1, v18;
	vm1 =	veq.s32 v23, v20  }
0x100: {  	v21 =	vadd.s32 v21, v22;
	v22 =	vsel vm1, $0x1, v18;
	vm1 =	veq.s32 v25, v20  }
0x101: {  	v20 =	vadd.s32 v22, v21;
	v21 =	vsel vm1, $0x1, v18  }
0x102: {  	v20 =	vadd.s32 v21, v20;
	v21 =	vld.idx.msk [tilespmem:v24+s25+$0x0], $0xffff  }
0x103: {  	v20 =	vcvt.s32.f32 v20;
	_ =	sdelay $0x1  }
0x104: {  	v20 =	vmul.f32 $3.000000120e-01, v20;
	_ =	sdelay $0x1  }
0x105: {  	v20 =	vsub.f32 v21, v20;
	_ =	sdelay $0x1  }
0x106: {  	s19 =	rddreg [dreg:$0x12];
	[tilespmem:v24+s25+$0x0] =	vst.idx.msk $0xffff, v20  }
0x107: {  	[hbm4b:s19+s22] =	stream.strided.scatter [tilespmem:s25], [sflag:$0x6], $0x8000, s20, s22, $0x38;
	[tilespmem:$0x18100] =	vst v63  }
0x108: {  	_ =	swait.ge [sflag:s1], $0x8000  }
0x109: {  	[sflag:s1] =	ssyncset.done $0x0  }
0x10a: {  	s19 =	rddreg [dreg:$0x13];
	[sflag:s1] =	ssyncadd.s32 $0xFFFF8000  }
0x10b: {  	[tilespmem:s25], [sflag:$0x3] =	stream.strided.gather [hbm4b:s19+s22], $0x8000, s20, s22, $0x38;
	[tilespmem:$0x18100] =	vst v63  }
0x10c: {  	_ =	swait.ge [sflag:s26], $0x8000  }
0x10d: {  	v20 =	vld [tilespmem:$0x1FFF0];
	_ =	sdelay $0x5  }
0x10e: {  	[sflag:s26] =	ssyncset.done $0x0  }
0x10f: {  	[sflag:s26] =	ssyncadd.s32 $0xFFFF8000  }
0x110: {  	v20 =	vld.idx.msk [tilespmem:v20+s2+$0x0], $0xffff;
	_ =	sdelay $0x2  }
0x111: {  	v21 =	vld.idx.msk [tilespmem:v2+s2+$0x0], $0xffff  }
0x112: {  	v22 =	vld.idx.msk [tilespmem:v27+s2+$0x0], $0xffff  }
0x113: {  	v23 =	vld.idx.msk [tilespmem:v28+s2+$0x0], $0xffff;
	v24 =	vshll.u32 v20, $0x2  }
0x114: {  	v25 =	vld.idx.msk [tilespmem:v29+s2+$0x0], $0xffff;
	v26 =	vand.u32 $0x7F, v20;
	v24 =	vand.u32 $0xFFFFFE00, v24  }
0x115: {  	v24 =	vor.u32 v24, v26  }
0x116: {  	v24 =	vor.u32 v19, v24  }
0x117: {  	vm1 =	veq.s32 v21, v20;
	vm2 =	veq.s32 v22, v20  }
0x118: {  	v21 =	vsel vm1, $0x1, v18;
	v22 =	vsel vm2, $0x1, v18;
	vm1 =	veq.s32 v23, v20  }
0x119: {  	v21 =	vadd.s32 v21, v22;
	v22 =	vsel vm1, $0x1, v18;
	vm1 =	veq.s32 v25, v20  }
0x11a: {  	v20 =	vadd.s32 v22, v21;
	v21 =	vsel vm1, $0x1, v18  }
0x11b: {  	v20 =	vadd.s32 v21, v20;
	v21 =	vld.idx.msk [tilespmem:v24+s23+$0x0], $0xffff  }
0x11c: {  	v20 =	vcvt.s32.f32 v20;
	_ =	sdelay $0x1  }
0x11d: {  	v20 =	vmul.f32 $3.000000120e-01, v20;
	_ =	sdelay $0x1  }
0x11e: {  	v20 =	vsub.f32 v21, v20;
	_ =	sdelay $0x1  }
0x11f: {  	s19 =	rddreg [dreg:$0x14];
	[tilespmem:v24+s23+$0x0] =	vst.idx.msk $0xffff, v20  }
0x120: {  	[hbm4b:s19+s22] =	stream.strided.scatter [tilespmem:s23], [sflag:$0x4], $0x8000, s20, s22, $0x38;
	[tilespmem:$0x18100] =	vst v63  }
0x121: {  	_ =	swait.ge [sflag:s28], $0x8000  }
0x122: {  	[sflag:s28] =	ssyncset.done $0x0  }
0x123: {  	s19 =	rddreg [dreg:$0x15];
	[sflag:s28] =	ssyncadd.s32 $0xFFFF8000  }
0x124: {  	[tilespmem:s23], [sflag:$0x1] =	stream.strided.gather [hbm4b:s19+s22], $0x8000, s20, s22, $0x38;
	[tilespmem:$0x18100] =	vst v63  }
0x125: {  	_ =	swait.ge [sflag:s29], $0x8000  }
0x126: {  	[sflag:s29] =	ssyncset.done $0x0  }
0x127: {  	[sflag:s29] =	ssyncadd.s32 $0xFFFF8000  }
0x128: {  	v20 =	vld.idx.msk [tilespmem:v30+s2+$0x0], $0xffff;
	_ =	sdelay $0x2  }
0x129: {  	v21 =	vld.idx.msk [tilespmem:v3+s2+$0x0], $0xffff  }
0x12a: {  	v22 =	vld.idx.msk [tilespmem:v31+s2+$0x0], $0xffff  }
0x12b: {  	v23 =	vld.idx.msk [tilespmem:v32+s2+$0x0], $0xffff;
	v24 =	vshll.u32 v20, $0x2  }
0x12c: {  	v25 =	vld.idx.msk [tilespmem:v33+s2+$0x0], $0xffff;
	v26 =	vand.u32 $0x7F, v20;
	v24 =	vand.u32 $0xFFFFFE00, v24  }
0x12d: {  	v24 =	vor.u32 v24, v26  }
0x12e: {  	v24 =	vor.u32 v19, v24  }
0x12f: {  	vm1 =	veq.s32 v21, v20;
	vm2 =	veq.s32 v22, v20  }
0x130: {  	v21 =	vsel vm1, $0x1, v18;
	v22 =	vsel vm2, $0x1, v18;
	vm1 =	veq.s32 v23, v20  }
0x131: {  	v21 =	vadd.s32 v21, v22;
	v22 =	vsel vm1, $0x1, v18;
	vm1 =	veq.s32 v25, v20  }
0x132: {  	v20 =	vadd.s32 v22, v21;
	v21 =	vsel vm1, $0x1, v18  }
0x133: {  	v20 =	vadd.s32 v21, v20;
	v21 =	vld.idx.msk [tilespmem:v24+s24+$0x0], $0xffff  }
0x134: {  	v20 =	vcvt.s32.f32 v20;
	_ =	sdelay $0x1  }
0x135: {  	v20 =	vmul.f32 $3.000000120e-01, v20;
	_ =	sdelay $0x1  }
0x136: {  	v20 =	vsub.f32 v21, v20;
	_ =	sdelay $0x1  }
0x137: {  	[tilespmem:v24+s24+$0x0] =	vst.idx.msk $0xffff, v20  }
0x138: {  	[hbm4b:s3+s22] =	stream.strided.scatter [tilespmem:s24], [sflag:$0x5], $0x8000, s20, s22, $0x38;
	[tilespmem:$0x18100] =	vst v63  }
0x139: {  	_ =	swait.ge [sflag:s30], $0x8000  }
0x13a: {  	[sflag:s30] =	ssyncset.done $0x0  }
0x13b: {  	[sflag:s30] =	ssyncadd.s32 $0xFFFF8000  }
0x13c: {  	[tilespmem:s24], [sflag:$0x2] =	stream.strided.gather [hbm4b:s4+s22], $0x8000, s20, s22, $0x38;
	[tilespmem:$0x18100] =	vst v63  }
0x13d: {  	_ =	swait.ge [sflag:s31], $0x8000  }
0x13e: {  	[sflag:s31] =	ssyncset.done $0x0  }
0x13f: {  	[sflag:s31] =	ssyncadd.s32 $0xFFFF8000  }
0x140: {  	v20 =	vld.idx.msk [tilespmem:v34+s2+$0x0], $0xffff;
	_ =	sdelay $0x2  }
0x141: {  	v21 =	vld.idx.msk [tilespmem:v4+s2+$0x0], $0xffff  }
0x142: {  	v22 =	vld.idx.msk [tilespmem:v35+s2+$0x0], $0xffff  }
0x143: {  	v23 =	vld.idx.msk [tilespmem:v36+s2+$0x0], $0xffff;
	v24 =	vshll.u32 v20, $0x2  }
0x144: {  	v25 =	vld.idx.msk [tilespmem:v37+s2+$0x0], $0xffff;
	v26 =	vand.u32 $0x7F, v20;
	v24 =	vand.u32 $0xFFFFFE00, v24  }
0x145: {  	v24 =	vor.u32 v24, v26  }
0x146: {  	v24 =	vor.u32 v19, v24  }
0x147: {  	vm1 =	veq.s32 v21, v20;
	vm2 =	veq.s32 v22, v20  }
0x148: {  	v21 =	vsel vm1, $0x1, v18;
	v22 =	vsel vm2, $0x1, v18;
	vm1 =	veq.s32 v23, v20  }
0x149: {  	v21 =	vadd.s32 v21, v22;
	v22 =	vsel vm1, $0x1, v18;
	vm1 =	veq.s32 v25, v20  }
0x14a: {  	v20 =	vadd.s32 v22, v21;
	v21 =	vsel vm1, $0x1, v18  }
0x14b: {  	v20 =	vadd.s32 v21, v20;
	v21 =	vld.idx.msk [tilespmem:v24+s25+$0x0], $0xffff  }
0x14c: {  	v20 =	vcvt.s32.f32 v20;
	_ =	sdelay $0x1  }
0x14d: {  	v20 =	vmul.f32 $3.000000120e-01, v20;
	_ =	sdelay $0x1  }
0x14e: {  	v20 =	vsub.f32 v21, v20;
	_ =	sdelay $0x1  }
0x14f: {  	[tilespmem:v24+s25+$0x0] =	vst.idx.msk $0xffff, v20  }
0x150: {  	[hbm4b:s5+s22] =	stream.strided.scatter [tilespmem:s25], [sflag:$0x6], $0x8000, s20, s22, $0x38;
	[tilespmem:$0x18100] =	vst v63  }
0x151: {  	_ =	swait.ge [sflag:s1], $0x8000  }
0x152: {  	[sflag:s1] =	ssyncset.done $0x0  }
0x153: {  	[sflag:s1] =	ssyncadd.s32 $0xFFFF8000  }
0x154: {  	[tilespmem:s25], [sflag:$0x3] =	stream.strided.gather [hbm4b:s6+s22], $0x8000, s20, s22, $0x38;
	[tilespmem:$0x18100] =	vst v63  }
0x155: {  	_ =	swait.ge [sflag:s26], $0x8000  }
0x156: {  	[sflag:s26] =	ssyncset.done $0x0  }
0x157: {  	[sflag:s26] =	ssyncadd.s32 $0xFFFF8000  }
0x158: {  	v20 =	vld.idx.msk [tilespmem:v38+s2+$0x0], $0xffff;
	_ =	sdelay $0x2  }
0x159: {  	v21 =	vld.idx.msk [tilespmem:v5+s2+$0x0], $0xffff  }
0x15a: {  	v22 =	vld.idx.msk [tilespmem:v39+s2+$0x0], $0xffff  }
0x15b: {  	v23 =	vld.idx.msk [tilespmem:v40+s2+$0x0], $0xffff;
	v24 =	vshll.u32 v20, $0x2  }
0x15c: {  	v25 =	vld.idx.msk [tilespmem:v41+s2+$0x0], $0xffff;
	v26 =	vand.u32 $0x7F, v20;
	v24 =	vand.u32 $0xFFFFFE00, v24  }
0x15d: {  	v24 =	vor.u32 v24, v26  }
0x15e: {  	v24 =	vor.u32 v19, v24  }
0x15f: {  	vm1 =	veq.s32 v21, v20;
	vm2 =	veq.s32 v22, v20  }
0x160: {  	v21 =	vsel vm1, $0x1, v18;
	v22 =	vsel vm2, $0x1, v18;
	vm1 =	veq.s32 v23, v20  }
0x161: {  	v21 =	vadd.s32 v21, v22;
	v22 =	vsel vm1, $0x1, v18;
	vm1 =	veq.s32 v25, v20  }
0x162: {  	v20 =	vadd.s32 v22, v21;
	v21 =	vsel vm1, $0x1, v18  }
0x163: {  	v20 =	vadd.s32 v21, v20;
	v21 =	vld.idx.msk [tilespmem:v24+s23+$0x0], $0xffff  }
0x164: {  	v20 =	vcvt.s32.f32 v20;
	_ =	sdelay $0x1  }
0x165: {  	v20 =	vmul.f32 $3.000000120e-01, v20;
	_ =	sdelay $0x1  }
0x166: {  	v20 =	vsub.f32 v21, v20;
	_ =	sdelay $0x1  }
0x167: {  	[tilespmem:v24+s23+$0x0] =	vst.idx.msk $0xffff, v20  }
0x168: {  	[hbm4b:s7+s22] =	stream.strided.scatter [tilespmem:s23], [sflag:$0x4], $0x8000, s20, s22, $0x38;
	[tilespmem:$0x18100] =	vst v63  }
0x169: {  	_ =	swait.ge [sflag:s28], $0x8000  }
0x16a: {  	[sflag:s28] =	ssyncset.done $0x0  }
0x16b: {  	[sflag:s28] =	ssyncadd.s32 $0xFFFF8000  }
0x16c: {  	[tilespmem:s23], [sflag:$0x1] =	stream.strided.gather [hbm4b:s8+s22], $0x8000, s20, s22, $0x38;
	[tilespmem:$0x18100] =	vst v63  }
0x16d: {  	_ =	swait.ge [sflag:s29], $0x8000  }
0x16e: {  	[sflag:s29] =	ssyncset.done $0x0  }
0x16f: {  	[sflag:s29] =	ssyncadd.s32 $0xFFFF8000  }
0x170: {  	v20 =	vld.idx.msk [tilespmem:v42+s2+$0x0], $0xffff;
	_ =	sdelay $0x2  }
0x171: {  	v21 =	vld.idx.msk [tilespmem:v8+s2+$0x0], $0xffff  }
0x172: {  	v22 =	vld.idx.msk [tilespmem:v43+s2+$0x0], $0xffff  }
0x173: {  	v23 =	vld.idx.msk [tilespmem:v44+s2+$0x0], $0xffff;
	v24 =	vshll.u32 v20, $0x2  }
0x174: {  	v25 =	vld.idx.msk [tilespmem:v45+s2+$0x0], $0xffff;
	v26 =	vand.u32 $0x7F, v20;
	v24 =	vand.u32 $0xFFFFFE00, v24  }
0x175: {  	v24 =	vor.u32 v24, v26  }
0x176: {  	v24 =	vor.u32 v19, v24  }
0x177: {  	vm1 =	veq.s32 v21, v20;
	vm2 =	veq.s32 v22, v20  }
0x178: {  	v21 =	vsel vm1, $0x1, v18;
	v22 =	vsel vm2, $0x1, v18;
	vm1 =	veq.s32 v23, v20  }
0x179: {  	v21 =	vadd.s32 v21, v22;
	v22 =	vsel vm1, $0x1, v18;
	vm1 =	veq.s32 v25, v20  }
0x17a: {  	v20 =	vadd.s32 v22, v21;
	v21 =	vsel vm1, $0x1, v18  }
0x17b: {  	v20 =	vadd.s32 v21, v20;
	v21 =	vld.idx.msk [tilespmem:v24+s24+$0x0], $0xffff  }
0x17c: {  	v20 =	vcvt.s32.f32 v20;
	_ =	sdelay $0x1  }
0x17d: {  	v20 =	vmul.f32 $3.000000120e-01, v20;
	_ =	sdelay $0x1  }
0x17e: {  	v20 =	vsub.f32 v21, v20;
	_ =	sdelay $0x1  }
0x17f: {  	[tilespmem:v24+s24+$0x0] =	vst.idx.msk $0xffff, v20  }
0x180: {  	[hbm4b:s9+s22] =	stream.strided.scatter [tilespmem:s24], [sflag:$0x5], $0x8000, s20, s22, $0x38;
	[tilespmem:$0x18100] =	vst v63  }
0x181: {  	_ =	swait.ge [sflag:s30], $0x8000  }
0x182: {  	[sflag:s30] =	ssyncset.done $0x0  }
0x183: {  	[sflag:s30] =	ssyncadd.s32 $0xFFFF8000  }
0x184: {  	[tilespmem:s24], [sflag:$0x2] =	stream.strided.gather [hbm4b:s10+s22], $0x8000, s20, s22, $0x38;
	[tilespmem:$0x18100] =	vst v63  }
0x185: {  	_ =	swait.ge [sflag:s31], $0x8000  }
0x186: {  	[sflag:s31] =	ssyncset.done $0x0  }
0x187: {  	[sflag:s31] =	ssyncadd.s32 $0xFFFF8000  }
0x188: {  	v20 =	vld.idx.msk [tilespmem:v46+s2+$0x0], $0xffff;
	_ =	sdelay $0x2  }
0x189: {  	v21 =	vld.idx.msk [tilespmem:v9+s2+$0x0], $0xffff  }
0x18a: {  	v22 =	vld.idx.msk [tilespmem:v47+s2+$0x0], $0xffff  }
0x18b: {  	v23 =	vld.idx.msk [tilespmem:v48+s2+$0x0], $0xffff;
	v24 =	vshll.u32 v20, $0x2  }
0x18c: {  	v25 =	vld.idx.msk [tilespmem:v49+s2+$0x0], $0xffff;
	v26 =	vand.u32 $0x7F, v20;
	v24 =	vand.u32 $0xFFFFFE00, v24  }
0x18d: {  	v24 =	vor.u32 v24, v26  }
0x18e: {  	v24 =	vor.u32 v19, v24  }
0x18f: {  	vm1 =	veq.s32 v21, v20;
	vm2 =	veq.s32 v22, v20  }
0x190: {  	v21 =	vsel vm1, $0x1, v18;
	v22 =	vsel vm2, $0x1, v18;
	vm1 =	veq.s32 v23, v20  }
0x191: {  	v21 =	vadd.s32 v21, v22;
	v22 =	vsel vm1, $0x1, v18;
	vm1 =	veq.s32 v25, v20  }
0x192: {  	v20 =	vadd.s32 v22, v21;
	v21 =	vsel vm1, $0x1, v18  }
0x193: {  	v20 =	vadd.s32 v21, v20;
	v21 =	vld.idx.msk [tilespmem:v24+s25+$0x0], $0xffff  }
0x194: {  	v20 =	vcvt.s32.f32 v20;
	_ =	sdelay $0x1  }
0x195: {  	v20 =	vmul.f32 $3.000000120e-01, v20;
	_ =	sdelay $0x1  }
0x196: {  	v20 =	vsub.f32 v21, v20;
	_ =	sdelay $0x1  }
0x197: {  	[tilespmem:v24+s25+$0x0] =	vst.idx.msk $0xffff, v20  }
0x198: {  	[hbm4b:s11+s22] =	stream.strided.scatter [tilespmem:s25], [sflag:$0x6], $0x8000, s20, s22, $0x38;
	[tilespmem:$0x18100] =	vst v63  }
0x199: {  	_ =	swait.ge [sflag:s1], $0x8000  }
0x19a: {  	[sflag:s1] =	ssyncset.done $0x0  }
0x19b: {  	[sflag:s1] =	ssyncadd.s32 $0xFFFF8000  }
0x19c: {  	[tilespmem:s25], [sflag:$0x3] =	stream.strided.gather [hbm4b:s12+s22], $0x8000, s20, s22, $0x38;
	[tilespmem:$0x18100] =	vst v63  }
0x19d: {  	_ =	swait.ge [sflag:s26], $0x8000  }
0x19e: {  	[sflag:s26] =	ssyncset.done $0x0  }
0x19f: {  	[sflag:s26] =	ssyncadd.s32 $0xFFFF8000  }
0x1a0: {  	v20 =	vld.idx.msk [tilespmem:v50+s2+$0x0], $0xffff;
	_ =	sdelay $0x2  }
0x1a1: {  	v21 =	vld.idx.msk [tilespmem:v10+s2+$0x0], $0xffff  }
0x1a2: {  	v22 =	vld.idx.msk [tilespmem:v51+s2+$0x0], $0xffff  }
0x1a3: {  	v23 =	vld.idx.msk [tilespmem:v52+s2+$0x0], $0xffff;
	v24 =	vshll.u32 v20, $0x2  }
0x1a4: {  	v25 =	vld.idx.msk [tilespmem:v53+s2+$0x0], $0xffff;
	v26 =	vand.u32 $0x7F, v20;
	v24 =	vand.u32 $0xFFFFFE00, v24  }
0x1a5: {  	v24 =	vor.u32 v24, v26  }
0x1a6: {  	v24 =	vor.u32 v19, v24  }
0x1a7: {  	vm1 =	veq.s32 v21, v20;
	vm2 =	veq.s32 v22, v20  }
0x1a8: {  	v21 =	vsel vm1, $0x1, v18;
	v22 =	vsel vm2, $0x1, v18;
	vm1 =	veq.s32 v23, v20  }
0x1a9: {  	v21 =	vadd.s32 v21, v22;
	v22 =	vsel vm1, $0x1, v18;
	vm1 =	veq.s32 v25, v20  }
0x1aa: {  	v20 =	vadd.s32 v22, v21;
	v21 =	vsel vm1, $0x1, v18  }
0x1ab: {  	v20 =	vadd.s32 v21, v20;
	v21 =	vld.idx.msk [tilespmem:v24+s23+$0x0], $0xffff  }
0x1ac: {  	v20 =	vcvt.s32.f32 v20;
	_ =	sdelay $0x1  }
0x1ad: {  	v20 =	vmul.f32 $3.000000120e-01, v20;
	_ =	sdelay $0x1  }
0x1ae: {  	v20 =	vsub.f32 v21, v20;
	_ =	sdelay $0x1  }
0x1af: {  	[tilespmem:v24+s23+$0x0] =	vst.idx.msk $0xffff, v20  }
0x1b0: {  	[hbm4b:s13+s22] =	stream.strided.scatter [tilespmem:s23], [sflag:$0x4], $0x8000, s20, s22, $0x38;
	[tilespmem:$0x18100] =	vst v63  }
0x1b1: {  	_ =	swait.ge [sflag:s28], $0x8000  }
0x1b2: {  	[sflag:s28] =	ssyncset.done $0x0  }
0x1b3: {  	[sflag:s28] =	ssyncadd.s32 $0xFFFF8000  }
0x1b4: {  	[tilespmem:s23], [sflag:$0x1] =	stream.strided.gather [hbm4b:s14+s22], $0x8000, s20, s22, $0x38;
	[tilespmem:$0x18100] =	vst v63  }
0x1b5: {  	_ =	swait.ge [sflag:s29], $0x8000  }
0x1b6: {  	[sflag:s29] =	ssyncset.done $0x0  }
0x1b7: {  	[sflag:s29] =	ssyncadd.s32 $0xFFFF8000  }
0x1b8: {  	v20 =	vld.idx.msk [tilespmem:v54+s2+$0x0], $0xffff;
	_ =	sdelay $0x2  }
0x1b9: {  	v21 =	vld.idx.msk [tilespmem:v11+s2+$0x0], $0xffff  }
0x1ba: {  	v22 =	vld.idx.msk [tilespmem:v55+s2+$0x0], $0xffff  }
0x1bb: {  	v23 =	vld.idx.msk [tilespmem:v56+s2+$0x0], $0xffff;
	v24 =	vshll.u32 v20, $0x2  }
0x1bc: {  	v25 =	vld.idx.msk [tilespmem:v57+s2+$0x0], $0xffff;
	v26 =	vand.u32 $0x7F, v20;
	v24 =	vand.u32 $0xFFFFFE00, v24  }
0x1bd: {  	v24 =	vor.u32 v24, v26  }
0x1be: {  	v24 =	vor.u32 v19, v24  }
0x1bf: {  	vm1 =	veq.s32 v21, v20;
	vm2 =	veq.s32 v22, v20  }
0x1c0: {  	v21 =	vsel vm1, $0x1, v18;
	v22 =	vsel vm2, $0x1, v18;
	vm1 =	veq.s32 v23, v20  }
0x1c1: {  	v21 =	vadd.s32 v21, v22;
	v22 =	vsel vm1, $0x1, v18;
	vm1 =	veq.s32 v25, v20  }
0x1c2: {  	v20 =	vadd.s32 v22, v21;
	v21 =	vsel vm1, $0x1, v18  }
0x1c3: {  	v20 =	vadd.s32 v21, v20;
	v21 =	vld.idx.msk [tilespmem:v24+s24+$0x0], $0xffff  }
0x1c4: {  	v20 =	vcvt.s32.f32 v20;
	_ =	sdelay $0x1  }
0x1c5: {  	v20 =	vmul.f32 $3.000000120e-01, v20;
	_ =	sdelay $0x1  }
0x1c6: {  	v20 =	vsub.f32 v21, v20;
	_ =	sdelay $0x1  }
0x1c7: {  	[tilespmem:v24+s24+$0x0] =	vst.idx.msk $0xffff, v20  }
0x1c8: {  	[hbm4b:s15+s22] =	stream.strided.scatter [tilespmem:s24], [sflag:$0x5], $0x8000, s20, s22, $0x38;
	[tilespmem:$0x18100] =	vst v63  }
0x1c9: {  	_ =	swait.ge [sflag:s31], $0x8000  }
0x1ca: {  	[sflag:s31] =	ssyncset.done $0x0  }
0x1cb: {  	[sflag:s31] =	ssyncadd.s32 $0xFFFF8000  }
0x1cc: {  	v20 =	vld.idx.msk [tilespmem:v58+s2+$0x0], $0xffff;
	_ =	sdelay $0x2  }
0x1cd: {  	v21 =	vld.idx.msk [tilespmem:v12+s2+$0x0], $0xffff  }
0x1ce: {  	v22 =	vld.idx.msk [tilespmem:v1+s2+$0x0], $0xffff  }
0x1cf: {  	v23 =	vld.idx.msk [tilespmem:v6+s2+$0x0], $0xffff;
	v24 =	vshll.u32 v20, $0x2  }
0x1d0: {  	v25 =	vld.idx.msk [tilespmem:v7+s2+$0x0], $0xffff;
	v26 =	vand.u32 $0x7F, v20;
	v24 =	vand.u32 $0xFFFFFE00, v24  }
0x1d1: {  	v24 =	vor.u32 v24, v26  }
0x1d2: {  	v24 =	vor.u32 v19, v24  }
0x1d3: {  	vm1 =	veq.s32 v21, v20;
	vm2 =	veq.s32 v22, v20  }
0x1d4: {  	v21 =	vsel vm1, $0x1, v18;
	v22 =	vsel vm2, $0x1, v18;
	vm1 =	veq.s32 v23, v20  }
0x1d5: {  	v21 =	vadd.s32 v21, v22;
	v22 =	vsel vm1, $0x1, v18;
	vm1 =	veq.s32 v25, v20  }
0x1d6: {  	v20 =	vadd.s32 v22, v21;
	v21 =	vsel vm1, $0x1, v18  }
0x1d7: {  	v20 =	vadd.s32 v21, v20;
	v21 =	vld.idx.msk [tilespmem:v24+s25+$0x0], $0xffff  }
0x1d8: {  	v20 =	vcvt.s32.f32 v20;
	_ =	sdelay $0x1  }
0x1d9: {  	v20 =	vmul.f32 $3.000000120e-01, v20;
	_ =	sdelay $0x1  }
0x1da: {  	v20 =	vsub.f32 v21, v20;
	_ =	sdelay $0x1  }
0x1db: {  	[tilespmem:v24+s25+$0x0] =	vst.idx.msk $0xffff, v20  }
0x1dc: {  	[hbm4b:s16+s22] =	stream.strided.scatter [tilespmem:s25], [sflag:$0x6], $0x8000, s20, s22, $0x38;
	[tilespmem:$0x18100] =	vst v63  }
0x1dd: {  	_ =	swait.ge [sflag:s26], $0x8000  }
0x1de: {  	[sflag:s26] =	ssyncset.done $0x0  }
0x1df: {  	[sflag:s26] =	ssyncadd.s32 $0xFFFF8000  }
0x1e0: {  	v20 =	vld.idx.msk [tilespmem:v14+s2+$0x0], $0xffff;
	_ =	sdelay $0x2  }
0x1e1: {  	v21 =	vld.idx.msk [tilespmem:v13+s2+$0x0], $0xffff  }
0x1e2: {  	v22 =	vld.idx.msk [tilespmem:v15+s2+$0x0], $0xffff  }
0x1e3: {  	v23 =	vld.idx.msk [tilespmem:v16+s2+$0x0], $0xffff;
	v24 =	vshll.u32 v20, $0x2  }
0x1e4: {  	v25 =	vld.idx.msk [tilespmem:v17+s2+$0x0], $0xffff;
	v26 =	vand.u32 $0x7F, v20;
	v24 =	vand.u32 $0xFFFFFE00, v24  }
0x1e5: {  	v24 =	vor.u32 v24, v26  }
0x1e6: {  	v19 =	vor.u32 v19, v24  }
0x1e7: {  	vm1 =	veq.s32 v21, v20;
	vm2 =	veq.s32 v22, v20  }
0x1e8: {  	v21 =	vsel vm1, $0x1, v18;
	vm1 =	veq.s32 v23, v20;
	v22 =	vsel vm2, $0x1, v18  }
0x1e9: {  	vm2 =	veq.s32 v25, v20;
	v20 =	vadd.s32 v21, v22;
	v21 =	vsel vm1, $0x1, v18  }
0x1ea: {  	v20 =	vadd.s32 v21, v20;
	v21 =	vsel vm2, $0x1, v18  }
0x1eb: {  	v20 =	vadd.s32 v21, v20;
	v21 =	vld.idx.msk [tilespmem:v19+s23+$0x0], $0xffff  }
0x1ec: {  	v20 =	vcvt.s32.f32 v20;
	_ =	sdelay $0x1  }
0x1ed: {  	v20 =	vmul.f32 $3.000000120e-01, v20;
	_ =	sdelay $0x1  }
0x1ee: {  	v20 =	vsub.f32 v21, v20;
	_ =	sdelay $0x1  }
0x1ef: {  	[tilespmem:v19+s23+$0x0] =	vst.idx.msk $0xffff, v20  }
0x1f0: {  	[hbm4b:s17+s22] =	stream.strided.scatter [tilespmem:s23], [sflag:$0x4], $0x8000, s20, s22, $0x38;
	[tilespmem:$0x18100] =	vst v63  }
0x1f1: {  	_ =	swait.ge [sflag:s30], $0x8000  }
0x1f2: {  	[sflag:s30] =	ssyncset.done $0x0  }
0x1f3: {  	[sflag:s30] =	ssyncadd.s32 $0xFFFF8000  }
0x1f4: {  	p0 =	sne.s32 s18, $0x1;
	_ =	swait.ge [sflag:s1], $0x8000  }
.Ltmp0:
0x1f5: {  	[sflag:s1] =	ssyncset.done $0x0;
	(pc) =	sbr.rel @p0 .LBB2_1-.Ltmp0, $4  }
0x1f6: {  	[sflag:s1] =	ssyncadd.s32 $0xFFFF8000  }
0x1f7: {  	_ =	swait.ge [sflag:s28], $0x8000  }
0x1f8: {  	[sflag:s28] =	ssyncset.done $0x0  }
0x1f9: {  	s18 =	sadd.s32 $0xFFFFFFFF, s18;
	[sflag:s28] =	ssyncadd.s32 $0xFFFF8000  }
0x1fa: {  	_ =	sfence.sel $0x180000  }
0x1fb: {  	[bflag:$0x0] =	sbarrier.arrive $0xFFFF  }
0x1fc: {  	_ =	strace $0x90000047  }
0x1fd: {  	s0 =	stileid.u32;
	[bflag:$0x2] =	sbarrier.arrive $0xFFFF  }
0x1fe: {  	p0 =	sne.s32 s0, $0x0;
	s0 =	rddreg [dreg:$0x3]  }
0x1ff: {  	s0 =	sadd.s32 @!p0 $0x100000, s0  }
0x200: {  	[sflag:s0] =	ssyncadd.tile.s32 @!p0 $0x1;
	_ =	shalt  }
.Lfunc_end2:
_tile_overlayer_lowered:
.L_overlay_start_2:
0x201: {  	(tag) =	ssettag $0x2  }
0x202: {  	s0 =	rddreg [dreg:$0x0];
	s2 =	stileid.u32  }
0x203: {  	s1 =	rddreg [dreg:$0x1];
	p0 =	sne.s32 s2, $0x0  }
0x204: {  	s3 =	rddreg [dreg:$0x2];
	[bflag:$0x3] =	sbarrier.arrive $0xFFFF;
	s2 =	simm.s32 @!p0 $0x1C07  }
0x205: {  	[timem:s3], [sflag:s2] =	dma.local @!p0 [hbm:s0], s1  }
0x206: {  	s0 =	simm.s32 @!p0 $0x7  }
0x207: {  	_ =	swait.ge @!p0 [sflag:s0], s1  }
0x208: {  	s1 =	ssub.s32 @!p0 $0x0, s1;
	[sflag:s0] =	ssyncset.done @!p0 $0x0  }
0x209: {  	[sflag:s0] =	ssyncadd.s32 @!p0 s1  }
0x20a: {  	[bflag:$0x3] =	sbarrier.arrive $0xFFFF  }
0x20b: {  	_ =	shalt  }

</sc_bundles>
